<compile_context>
chip_gen: v7x
topology: tpu7x:2x2x1
jax: 0.10.2.dev20260603
libtpu: 0.0.44.dev20260713+nightly
codegen_flags: <defaults>
</compile_context>

<pallas_src>
import functools

import jax
import jax.numpy as jnp
from jax import lax
from jax.experimental import pallas as pl
from jax.experimental.pallas import tpu as pltpu
from jax.experimental.pallas import tpu_sc as plsc

N = 10000
E = 320000
D = 128
VP = 32
G = 64
NP = 10240
CZ = NP * VP
NC = 2
NS = 16
NT = NC * NS
PERT = E // NT
CH = 128
NFULL = PERT // CH
TAIL = PERT - NFULL * CH

f32 = jnp.float32
i32 = jnp.int32


def _mesh():
    return plsc.VectorSubcoreMesh(
        core_axis_name="c", subcore_axis_name="s", num_cores=NC, num_subcores=NS
    )


_SC_PARAMS = pltpu.CompilerParams(needs_layout_passes=False)


@functools.partial(
    pl.kernel,
    out_type=jax.ShapeDtypeStruct((NC, NP), f32),
    mesh=_mesh(),
    compiler_params=_SC_PARAMS,
    scratch_types=[
        pltpu.VMEM((CH,), i32),
        pltpu.VMEM((CH,), f32),
        pltpu.VMEM((16,), i32),
        pltpu.VMEM((16,), f32),
        pltpu.VMEM_SHARED((NP,), f32),
    ],
)
def _sc_degree(dst_hbm, z1_hbm, out_hbm, idx_b, ones_b, idxt_b, onest_b, deg_sp):
    c = lax.axis_index("c")
    s = lax.axis_index("s")
    for j in range(CH // 16):
        ones_b[pl.ds(j * 16, 16)] = jnp.full((16,), 1.0, f32)
    onest_b[...] = jnp.full((16,), 1.0, f32)
    sl = NP // NS
    pltpu.sync_copy(z1_hbm.at[pl.ds(0, sl)], deg_sp.at[pl.ds(s * sl, sl)])
    plsc.subcore_barrier()
    base = (c * NS + s) * PERT

    def body(i, _):
        pltpu.sync_copy(dst_hbm.at[pl.ds(base + i * CH, CH)], idx_b)
        pltpu.sync_copy(ones_b, deg_sp.at[idx_b], add=True)
        return 0

    lax.fori_loop(0, NFULL, body, 0)
    pltpu.sync_copy(dst_hbm.at[pl.ds(base + NFULL * CH, TAIL)], idxt_b)
    pltpu.sync_copy(onest_b, deg_sp.at[idxt_b], add=True)
    plsc.subcore_barrier()
    pltpu.sync_copy(deg_sp.at[pl.ds(s * sl, sl)], out_hbm.at[c, pl.ds(s * sl, sl)])


@functools.partial(
    pl.kernel,
    out_type=jax.ShapeDtypeStruct((NC, CZ), f32),
    mesh=_mesh(),
    compiler_params=_SC_PARAMS,
    scratch_types=[
        pltpu.VMEM((NP,), i32),
        pltpu.VMEM((NP,), f32),
        pltpu.VMEM((CH,), i32),
        pltpu.VMEM((CH,), i32),
        pltpu.VMEM((CH,), i32),
        pltpu.VMEM((CH,), f32),
        pltpu.VMEM((16,), i32),
        pltpu.VMEM((16,), i32),
        pltpu.VMEM((16,), i32),
        pltpu.VMEM((16,), f32),
        pltpu.VMEM_SHARED((CZ,), f32),
    ],
)
def _sc_hist(src_hbm, dst_hbm, nodes_hbm, dinv_hbm, z1_hbm, out_hbm,
             nodes_v, dinv_v, srcb, dstb, idxb, valb,
             srct, dstt, idxt, valt, c_sp):
    c = lax.axis_index("c")
    s = lax.axis_index("s")
    pltpu.sync_copy(nodes_hbm, nodes_v)
    pltpu.sync_copy(dinv_hbm, dinv_v)
    sl = CZ // NS
    pltpu.sync_copy(z1_hbm.at[pl.ds(0, sl)], c_sp.at[pl.ds(s * sl, sl)])
    plsc.subcore_barrier()
    base = (c * NS + s) * PERT

    def body(i, _):
        off = base + i * CH
        pltpu.sync_copy(src_hbm.at[pl.ds(off, CH)], srcb)
        pltpu.sync_copy(dst_hbm.at[pl.ds(off, CH)], dstb)
        for j in range(CH // 16):
            sv = srcb[pl.ds(j * 16, 16)]
            dv = dstb[pl.ds(j * 16, 16)]
            v = plsc.load_gather(nodes_v, [sv])
            w = plsc.load_gather(dinv_v, [sv])
            idxb[pl.ds(j * 16, 16)] = dv * VP + v
            valb[pl.ds(j * 16, 16)] = w
        pltpu.sync_copy(valb, c_sp.at[idxb], add=True)
        return 0

    lax.fori_loop(0, NFULL, body, 0)
    off = base + NFULL * CH
    pltpu.sync_copy(src_hbm.at[pl.ds(off, TAIL)], srct)
    pltpu.sync_copy(dst_hbm.at[pl.ds(off, TAIL)], dstt)
    sv = srct[...]
    dv = dstt[...]
    v = plsc.load_gather(nodes_v, [sv])
    w = plsc.load_gather(dinv_v, [sv])
    idxt[...] = dv * VP + v
    valt[...] = w
    pltpu.sync_copy(valt, c_sp.at[idxt], add=True)
    plsc.subcore_barrier()
    pltpu.sync_copy(c_sp.at[pl.ds(s * sl, sl)], out_hbm.at[c, pl.ds(s * sl, sl)])


@functools.partial(
    pl.kernel,
    out_type=jax.ShapeDtypeStruct((NC, NP, D), f32),
    mesh=_mesh(),
    compiler_params=_SC_PARAMS,
    scratch_types=[
        pltpu.VMEM((CH,), i32),
        pltpu.VMEM((CH,), i32),
        pltpu.VMEM((CH,), i32),
        pltpu.VMEM((CH,), i32),
        pltpu.VMEM((CH, D), f32),
        pltpu.VMEM((CH, D), f32),
        pltpu.SemaphoreType.DMA,
        pltpu.SemaphoreType.DMA,
        pltpu.SemaphoreType.DMA,
        pltpu.SemaphoreType.DMA,
        pltpu.VMEM((16,), i32),
        pltpu.VMEM((16,), i32),
        pltpu.VMEM((16, D), f32),
        pltpu.VMEM_SHARED((NP, D), f32),
    ],
)
def _sc_segsum(src_hbm, dst_hbm, y_hbm, z2_hbm, out_hbm,
               sidx0, sidx1, didx0, didx1, rows0, rows1,
               gsem0, gsem1, ssem0, ssem1,
               sidxt, didxt, rowst, s_sp):
    c = lax.axis_index("c")
    s = lax.axis_index("s")
    sl = NP // NS
    pltpu.sync_copy(z2_hbm.at[pl.ds(s * sl, sl)], s_sp.at[pl.ds(s * sl, sl)])
    plsc.subcore_barrier()
    base = (c * NS + s) * PERT

    sidx = (sidx0, sidx1)
    didx = (didx0, didx1)
    rows = (rows0, rows1)
    gsem = (gsem0, gsem1)
    ssem = (ssem0, ssem1)

    def load_idx(g, b):
        off = base + g * CH
        pltpu.sync_copy(src_hbm.at[pl.ds(off, CH)], sidx[b])
        pltpu.sync_copy(dst_hbm.at[pl.ds(off, CH)], didx[b])

    def start_gather(b):
        pltpu.async_copy(y_hbm.at[sidx[b]], rows[b], gsem[b])

    def wait_gather(b):
        pltpu.make_async_copy(y_hbm.at[sidx[b]], rows[b], gsem[b]).wait()

    def start_scatter(b):
        pltpu.async_copy(rows[b], s_sp.at[didx[b]], ssem[b], add=True)

    def wait_scatter(b):
        pltpu.make_async_copy(rows[b], s_sp.at[didx[b]], ssem[b]).wait()

    load_idx(0, 0)
    start_gather(0)
    load_idx(1, 1)
    start_gather(1)

    def body(k, _):
        for b in range(2):
            g = 2 * k + b
            wait_gather(b)
            start_scatter(b)
            n = g + 2

            @pl.when(n < NFULL)
            def _issue_next():
                wait_scatter(b)
                load_idx(n, b)
                start_gather(b)

        return 0

    lax.fori_loop(0, NFULL // 2, body, 0)
    wait_scatter(0)
    wait_scatter(1)
    off = base + NFULL * CH
    pltpu.sync_copy(src_hbm.at[pl.ds(off, TAIL)], sidxt)
    pltpu.sync_copy(dst_hbm.at[pl.ds(off, TAIL)], didxt)
    pltpu.sync_copy(y_hbm.at[sidxt], rowst)
    pltpu.sync_copy(rowst, s_sp.at[didxt], add=True)
    plsc.subcore_barrier()
    pltpu.sync_copy(s_sp.at[pl.ds(s * sl, sl)], out_hbm.at[c, pl.ds(s * sl, sl)])


def _tc_prep_body(degp_ref, emb_ref, w1_ref, dinv_ref, t1p_ref):
    deg = degp_ref[0] + degp_ref[1] + 1.0
    dinv_ref[...] = lax.rsqrt(deg)
    t1p_ref[...] = jnp.dot(emb_ref[...], w1_ref[...], preferred_element_type=f32)


def _tc_prep(deg_p, emb_pad, w1):
    return pl.pallas_call(
        _tc_prep_body,
        out_shape=(
            jax.ShapeDtypeStruct((NP // 128, 128), f32),
            jax.ShapeDtypeStruct((VP, D), f32),
        ),
    )(deg_p, emb_pad, w1)


_B = 512
_NB = NP // _B


def _tc_l1_body(cp_ref, nodes_ref, dinv_ref, t1p_ref, b1_ref, y_ref):
    cmat = cp_ref[0] + cp_ref[1]
    dinv = dinv_ref[...]
    oh = jnp.where(
        nodes_ref[...] == lax.broadcasted_iota(i32, (_B, VP), 1), dinv, 0.0
    )
    cmat = cmat + oh
    xw = jnp.dot(cmat, t1p_ref[...], preferred_element_type=f32)
    x2 = jnp.maximum(dinv * xw + b1_ref[...], 0.0)
    y_ref[...] = dinv * x2


def _tc_layer1(c_p, nodes_col, dinv_col, t1p, b1r):
    return pl.pallas_call(
        _tc_l1_body,
        grid=(_NB,),
        in_specs=[
            pl.BlockSpec((NC, _B, VP), lambda i: (0, i, 0)),
            pl.BlockSpec((_B, 1), lambda i: (i, 0)),
            pl.BlockSpec((_B, 1), lambda i: (i, 0)),
            pl.BlockSpec((VP, D), lambda i: (0, 0)),
            pl.BlockSpec((1, D), lambda i: (0, 0)),
        ],
        out_specs=pl.BlockSpec((_B, D), lambda i: (i, 0)),
        out_shape=jax.ShapeDtypeStruct((NP, D), f32),
    )(c_p, nodes_col, dinv_col, t1p, b1r)


def _tc_l2_body(sp_ref, y_ref, dinv_ref, bi_ref, w2_ref, b2_ref, out_ref,
                sums_scr, cnt_scr):
    i = pl.program_id(0)

    @pl.when(i == 0)
    def _init():
        sums_scr[...] = jnp.zeros((G, D), f32)
        cnt_scr[...] = jnp.zeros((G, D), f32)

    agg = dinv_ref[...] * (sp_ref[0] + sp_ref[1] + y_ref[...])
    x3 = jnp.maximum(
        jnp.dot(agg, w2_ref[...], preferred_element_type=f32) + b2_ref[...], 0.0
    )
    rows = i * _B + lax.broadcasted_iota(i32, (1, _B), 1)
    ohb = (lax.broadcasted_iota(i32, (G, _B), 0) == bi_ref[...]) & (rows < N)
    oh = jnp.where(ohb, 1.0, 0.0)
    sums_scr[...] += jnp.dot(oh, x3, preferred_element_type=f32)
    cnt_scr[...] += jnp.broadcast_to(jnp.sum(oh, axis=1, keepdims=True), (G, D))

    @pl.when(i == _NB - 1)
    def _fin():
        out_ref[...] = sums_scr[...] / jnp.maximum(cnt_scr[...], 1.0)


def _tc_layer2_pool(s_p, y, dinv_col, bi_row, w2, b2r):
    return pl.pallas_call(
        _tc_l2_body,
        grid=(_NB,),
        in_specs=[
            pl.BlockSpec((NC, _B, D), lambda i: (0, i, 0)),
            pl.BlockSpec((_B, D), lambda i: (i, 0)),
            pl.BlockSpec((_B, 1), lambda i: (i, 0)),
            pl.BlockSpec((1, _B), lambda i: (0, i)),
            pl.BlockSpec((D, D), lambda i: (0, 0)),
            pl.BlockSpec((1, D), lambda i: (0, 0)),
        ],
        out_specs=pl.BlockSpec((G, D), lambda i: (0, 0)),
        out_shape=jax.ShapeDtypeStruct((G, D), f32),
        scratch_shapes=[pltpu.VMEM((G, D), f32), pltpu.VMEM((G, D), f32)],
    )(s_p, y, dinv_col, bi_row, w2, b2r)


def kernel(nodes, edge_index, batch_index, emb, W1, b1, W2, b2):
    nodes = nodes.astype(i32)
    src = edge_index[0].astype(i32)
    dst = edge_index[1].astype(i32)
    bi = batch_index.astype(i32)

    nodes_pad = jnp.concatenate([nodes, jnp.zeros((NP - N,), i32)])
    bi_row = jnp.concatenate([bi, jnp.full((NP - N,), G - 1, i32)]).reshape(1, NP)
    emb_pad = jnp.zeros((VP, D), f32).at[: emb.shape[0]].set(emb)
    z1 = jnp.zeros((CZ // NS,), f32)
    z2 = jnp.zeros((NP, D), f32)

    deg_p = _sc_degree(dst, z1)
    dinv2d, t1p = _tc_prep(deg_p.reshape(NC, NP // 128, 128), emb_pad, W1)
    dinv_flat = dinv2d.reshape(NP)
    dinv_col = dinv2d.reshape(NP, 1)

    c_p = _sc_hist(src, dst, nodes_pad, dinv_flat, z1)
    y = _tc_layer1(
        c_p.reshape(NC, NP, VP), nodes_pad.reshape(NP, 1), dinv_col, t1p,
        b1.reshape(1, D),
    )
    s_p = _sc_segsum(src, dst, y, z2)
    return _tc_layer2_pool(s_p, y, dinv_col, bi_row, W2, b2.reshape(1, D))

# --- scband reference (transcript-rebuilt; emitter-appended) ---
"""Pipeline reference for scband-gnnfor-protein-40235253629410 (READ-ONLY COPY).

The authoritative reference and input builder live on the scoring server;
editing this copy changes nothing except your own understanding.
"""

import jax, jax.numpy as jnp
import numpy as np

N = 10000
E = 320000
D = 128
V = 30
NUM_GRAPHS = 64


def setup_inputs(seed: int = 0) -> dict:
    key = jax.random.key(seed)
    ks = jax.random.split(key, 8)
    nodes = jax.random.randint(ks[0], (N,), 0, V)
    edge_index = jax.random.randint(ks[1], (2, E), 0, N)
    batch_index = jnp.sort(jax.random.randint(ks[2], (N,), 0, NUM_GRAPHS))
    emb = jax.random.normal(ks[3], (V + 1, D), dtype=jnp.float32) * 0.02
    W1 = jax.random.normal(ks[4], (D, D), dtype=jnp.float32) * (1.0 / np.sqrt(D))
    b1 = jnp.zeros((D,), dtype=jnp.float32)
    W2 = jax.random.normal(ks[5], (D, D), dtype=jnp.float32) * (1.0 / np.sqrt(D))
    b2 = jnp.zeros((D,), dtype=jnp.float32)
    return {"nodes": nodes, "edge_index": edge_index, "batch_index": batch_index,
            "emb": emb, "W1": W1, "b1": b1, "W2": W2, "b2": b2}


def _gcn_conv(x, edge_index, W, b, num_nodes):
    # GCNConv: x' = D^{-1/2} (A + I) D^{-1/2} (x W) + b
    src = edge_index[0]
    dst = edge_index[1]
    loop = jnp.arange(num_nodes, dtype=src.dtype)
    src = jnp.concatenate([src, loop])
    dst = jnp.concatenate([dst, loop])
    deg = jax.ops.segment_sum(jnp.ones_like(dst, dtype=x.dtype), dst, num_segments=num_nodes)
    dinv = jnp.where(deg > 0, jax.lax.rsqrt(jnp.maximum(deg, 1e-12)), 0.0)
    norm = dinv[src] * dinv[dst]
    xw = x @ W
    msg = norm[:, None] * jnp.take(xw, src, axis=0)
    out = jax.ops.segment_sum(msg, dst, num_segments=num_nodes) + b
    return out


def reference(nodes, edge_index, batch_index, emb, W1, b1, W2, b2):
    x = jnp.take(emb, nodes, axis=0)
    x = jax.nn.relu(_gcn_conv(x, edge_index, W1, b1, N))
    x = jax.nn.relu(_gcn_conv(x, edge_index, W2, b2, N))
    sums = jax.ops.segment_sum(x, batch_index, num_segments=NUM_GRAPHS)
    cnt = jax.ops.segment_sum(jnp.ones((N,), dtype=x.dtype), batch_index, num_segments=NUM_GRAPHS)
    return sums / jnp.maximum(cnt, 1.0)[:, None]

if __name__ == "__main__":
    import jax
    _d = setup_inputs()
    print(jax.jit(kernel)(*tuple(_d.values())))

</pallas_src>

<mosaic_0001>
#map = affine_map<(d0, d1) -> (0)>
#map1 = affine_map<(d0, d1) -> (0, 0)>
#map2 = affine_map<(d0, d1) -> (0, 0, 0)>
module attributes {stable_mosaic.version = 14 : i64} {
  func.func @_sc_segsum(%arg0: i32, %arg1: i32, %arg2: memref<320000xi32, #tpu.memory_space<hbm>>, %arg3: memref<320000xi32, #tpu.memory_space<hbm>>, %arg4: memref<10240x128xf32, #tpu.memory_space<hbm>>, %arg5: memref<10240x128xf32, #tpu.memory_space<hbm>>, %arg6: memref<2x10240x128xf32, #tpu.memory_space<hbm>>, %arg7: memref<128xi32, #tpu.memory_space<vmem>>, %arg8: memref<128xi32, #tpu.memory_space<vmem>>, %arg9: memref<128xi32, #tpu.memory_space<vmem>>, %arg10: memref<128xi32, #tpu.memory_space<vmem>>, %arg11: memref<128x128xf32, #tpu.memory_space<vmem>>, %arg12: memref<128x128xf32, #tpu.memory_space<vmem>>, %arg13: memref<!tpu.dma_semaphore, #tpu.memory_space<semaphore_mem>>, %arg14: memref<!tpu.dma_semaphore, #tpu.memory_space<semaphore_mem>>, %arg15: memref<!tpu.dma_semaphore, #tpu.memory_space<semaphore_mem>>, %arg16: memref<!tpu.dma_semaphore, #tpu.memory_space<semaphore_mem>>, %arg17: memref<16xi32, #tpu.memory_space<vmem>>, %arg18: memref<16xi32, #tpu.memory_space<vmem>>, %arg19: memref<16x128xf32, #tpu.memory_space<vmem>>, %arg20: memref<10240x128xf32, #tpu.memory_space<vmem_shared>>) attributes {dimension_semantics = [#tpu.dimension_semantics<core_parallel>, #tpu.dimension_semantics<subcore_parallel>], iteration_bounds = array<i64: 2, 16>, scalar_prefetch = 0 : i64, scratch_operands = 14 : i64, tpu.core_type = #tpu.core_type<sc_vector_subcore>, window_params = [{transform_indices = #map}, {transform_indices = #map}, {transform_indices = #map1}, {transform_indices = #map1}, {transform_indices = #map2}]} {
    %mul3A = arith.constant 640 : i32
    %mul3A_0 = arith.muli %arg1, %mul3A : i32
    %mul3A_1 = arith.constant 640 : i32
    %mul3A_2 = arith.muli %arg1, %mul3A_1 : i32
    "tpu.region"() ({
      %run_scoped3A = tpu.sem_alloc : memref<!tpu.dma_semaphore, #tpu.memory_space<semaphore_mem>>
      %dma_start3A_34 = arith.constant 0 : i32
      %dma_start3A_35 = tpu.memref_slice %arg20[%mul3A_2, %dma_start3A_34] : memref<10240x128xf32, #tpu.memory_space<vmem_shared>> -> memref<640x128xf32, #tpu.memory_space<vmem_shared>>
      %dma_start3A_36 = arith.constant 0 : i32
      %dma_start3A_37 = tpu.memref_slice %arg5[%mul3A_0, %dma_start3A_36] : memref<10240x128xf32, #tpu.memory_space<hbm>> -> memref<640x128xf32, #tpu.memory_space<hbm>>
      tpu.enqueue_dma source(%dma_start3A_37 : memref<640x128xf32, #tpu.memory_space<hbm>>) target(%dma_start3A_35 : memref<640x128xf32, #tpu.memory_space<vmem_shared>>) target_semaphore(%run_scoped3A : memref<!tpu.dma_semaphore, #tpu.memory_space<semaphore_mem>>)
      %dma_wait3A_38 = arith.constant 0 : i32
      %dma_wait3A_39 = tpu.memref_slice %arg20[%mul3A_2, %dma_wait3A_38] : memref<10240x128xf32, #tpu.memory_space<vmem_shared>> -> memref<640x128xf32, #tpu.memory_space<vmem_shared>>
      %dma_wait3A_40 = arith.constant 0 : i32
      %dma_wait3A_41 = tpu.memref_slice %arg5[%mul3A_0, %dma_wait3A_40] : memref<10240x128xf32, #tpu.memory_space<hbm>> -> memref<640x128xf32, #tpu.memory_space<hbm>>
      tpu.wait_dma2 semaphore(%run_scoped3A : memref<!tpu.dma_semaphore, #tpu.memory_space<semaphore_mem>>) src(%dma_wait3A_41 : memref<640x128xf32, #tpu.memory_space<hbm>>) dst(%dma_wait3A_39 : memref<640x128xf32, #tpu.memory_space<vmem_shared>>)
      tpu.yield
    }) : () -> ()
    %barrier3A = arith.constant 0 : index
    tpu.barrier barrier_id(%barrier3A)
    %mul3A_3 = arith.constant 16 : i32
    %mul3A_4 = arith.muli %arg0, %mul3A_3 : i32
    %add3A = arith.addi %mul3A_4, %arg1 : i32
    %mul3A_5 = arith.constant 10000 : i32
    %mul3A_6 = arith.muli %add3A, %mul3A_5 : i32
    %add3A_7 = arith.constant 0 : i32
    %add3A_8 = arith.addi %mul3A_6, %add3A_7 : i32
    "tpu.region"() ({
      %run_scoped3A = tpu.sem_alloc : memref<!tpu.dma_semaphore, #tpu.memory_space<semaphore_mem>>
      %dma_start3A_34 = tpu.memref_slice %arg2[%add3A_8] : memref<320000xi32, #tpu.memory_space<hbm>> -> memref<128xi32, #tpu.memory_space<hbm>>
      %dma_start3A_35 = tpu.memref_slice %arg2[%add3A_8] : memref<320000xi32, #tpu.memory_space<hbm>> -> memref<128xi32, #tpu.memory_space<hbm>>
      tpu.enqueue_dma source(%dma_start3A_35 : memref<128xi32, #tpu.memory_space<hbm>>) target(%arg7 : memref<128xi32, #tpu.memory_space<vmem>>) target_semaphore(%run_scoped3A : memref<!tpu.dma_semaphore, #tpu.memory_space<semaphore_mem>>)
      %dma_wait3A_36 = tpu.memref_slice %arg2[%add3A_8] : memref<320000xi32, #tpu.memory_space<hbm>> -> memref<128xi32, #tpu.memory_space<hbm>>
      %dma_wait3A_37 = tpu.memref_slice %arg2[%add3A_8] : memref<320000xi32, #tpu.memory_space<hbm>> -> memref<128xi32, #tpu.memory_space<hbm>>
      tpu.wait_dma2 semaphore(%run_scoped3A : memref<!tpu.dma_semaphore, #tpu.memory_space<semaphore_mem>>) src(%dma_wait3A_37 : memref<128xi32, #tpu.memory_space<hbm>>) dst(%arg7 : memref<128xi32, #tpu.memory_space<vmem>>)
      tpu.yield
    }) : () -> ()
    "tpu.region"() ({
      %run_scoped3A = tpu.sem_alloc : memref<!tpu.dma_semaphore, #tpu.memory_space<semaphore_mem>>
      %dma_start3A_34 = tpu.memref_slice %arg3[%add3A_8] : memref<320000xi32, #tpu.memory_space<hbm>> -> memref<128xi32, #tpu.memory_space<hbm>>
      %dma_start3A_35 = tpu.memref_slice %arg3[%add3A_8] : memref<320000xi32, #tpu.memory_space<hbm>> -> memref<128xi32, #tpu.memory_space<hbm>>
      tpu.enqueue_dma source(%dma_start3A_35 : memref<128xi32, #tpu.memory_space<hbm>>) target(%arg9 : memref<128xi32, #tpu.memory_space<vmem>>) target_semaphore(%run_scoped3A : memref<!tpu.dma_semaphore, #tpu.memory_space<semaphore_mem>>)
      %dma_wait3A_36 = tpu.memref_slice %arg3[%add3A_8] : memref<320000xi32, #tpu.memory_space<hbm>> -> memref<128xi32, #tpu.memory_space<hbm>>
      %dma_wait3A_37 = tpu.memref_slice %arg3[%add3A_8] : memref<320000xi32, #tpu.memory_space<hbm>> -> memref<128xi32, #tpu.memory_space<hbm>>
      tpu.wait_dma2 semaphore(%run_scoped3A : memref<!tpu.dma_semaphore, #tpu.memory_space<semaphore_mem>>) src(%dma_wait3A_37 : memref<128xi32, #tpu.memory_space<hbm>>) dst(%arg9 : memref<128xi32, #tpu.memory_space<vmem>>)
      tpu.yield
    }) : () -> ()
    %dma_start3A = arith.constant 0 : i32
    %dma_start3A_9 = arith.constant 0 : i32
    %dma_start3A_10 = tpu.memref_slice %arg4[%dma_start3A, %dma_start3A_9] : memref<10240x128xf32, #tpu.memory_space<hbm>> -> memref<10240x128xf32, #tpu.memory_space<hbm>>
    tpu.enqueue_indirect_dma source(%dma_start3A_10 : memref<10240x128xf32, #tpu.memory_space<hbm>>) target(%arg11 : memref<128x128xf32, #tpu.memory_space<vmem>>) offsets(%arg7 : memref<128xi32, #tpu.memory_space<vmem>>) semaphore(%arg13 : memref<!tpu.dma_semaphore, #tpu.memory_space<semaphore_mem>>)
    %add3A_11 = arith.constant 128 : i32
    %add3A_12 = arith.addi %mul3A_6, %add3A_11 : i32
    "tpu.region"() ({
      %run_scoped3A = tpu.sem_alloc : memref<!tpu.dma_semaphore, #tpu.memory_space<semaphore_mem>>
      %dma_start3A_34 = tpu.memref_slice %arg2[%add3A_12] : memref<320000xi32, #tpu.memory_space<hbm>> -> memref<128xi32, #tpu.memory_space<hbm>>
      %dma_start3A_35 = tpu.memref_slice %arg2[%add3A_12] : memref<320000xi32, #tpu.memory_space<hbm>> -> memref<128xi32, #tpu.memory_space<hbm>>
      tpu.enqueue_dma source(%dma_start3A_35 : memref<128xi32, #tpu.memory_space<hbm>>) target(%arg8 : memref<128xi32, #tpu.memory_space<vmem>>) target_semaphore(%run_scoped3A : memref<!tpu.dma_semaphore, #tpu.memory_space<semaphore_mem>>)
      %dma_wait3A_36 = tpu.memref_slice %arg2[%add3A_12] : memref<320000xi32, #tpu.memory_space<hbm>> -> memref<128xi32, #tpu.memory_space<hbm>>
      %dma_wait3A_37 = tpu.memref_slice %arg2[%add3A_12] : memref<320000xi32, #tpu.memory_space<hbm>> -> memref<128xi32, #tpu.memory_space<hbm>>
      tpu.wait_dma2 semaphore(%run_scoped3A : memref<!tpu.dma_semaphore, #tpu.memory_space<semaphore_mem>>) src(%dma_wait3A_37 : memref<128xi32, #tpu.memory_space<hbm>>) dst(%arg8 : memref<128xi32, #tpu.memory_space<vmem>>)
      tpu.yield
    }) : () -> ()
    "tpu.region"() ({
      %run_scoped3A = tpu.sem_alloc : memref<!tpu.dma_semaphore, #tpu.memory_space<semaphore_mem>>
      %dma_start3A_34 = tpu.memref_slice %arg3[%add3A_12] : memref<320000xi32, #tpu.memory_space<hbm>> -> memref<128xi32, #tpu.memory_space<hbm>>
      %dma_start3A_35 = tpu.memref_slice %arg3[%add3A_12] : memref<320000xi32, #tpu.memory_space<hbm>> -> memref<128xi32, #tpu.memory_space<hbm>>
      tpu.enqueue_dma source(%dma_start3A_35 : memref<128xi32, #tpu.memory_space<hbm>>) target(%arg10 : memref<128xi32, #tpu.memory_space<vmem>>) target_semaphore(%run_scoped3A : memref<!tpu.dma_semaphore, #tpu.memory_space<semaphore_mem>>)
      %dma_wait3A_36 = tpu.memref_slice %arg3[%add3A_12] : memref<320000xi32, #tpu.memory_space<hbm>> -> memref<128xi32, #tpu.memory_space<hbm>>
      %dma_wait3A_37 = tpu.memref_slice %arg3[%add3A_12] : memref<320000xi32, #tpu.memory_space<hbm>> -> memref<128xi32, #tpu.memory_space<hbm>>
      tpu.wait_dma2 semaphore(%run_scoped3A : memref<!tpu.dma_semaphore, #tpu.memory_space<semaphore_mem>>) src(%dma_wait3A_37 : memref<128xi32, #tpu.memory_space<hbm>>) dst(%arg10 : memref<128xi32, #tpu.memory_space<vmem>>)
      tpu.yield
    }) : () -> ()
    %dma_start3A_13 = arith.constant 0 : i32
    %dma_start3A_14 = arith.constant 0 : i32
    %dma_start3A_15 = tpu.memref_slice %arg4[%dma_start3A_13, %dma_start3A_14] : memref<10240x128xf32, #tpu.memory_space<hbm>> -> memref<10240x128xf32, #tpu.memory_space<hbm>>
    tpu.enqueue_indirect_dma source(%dma_start3A_15 : memref<10240x128xf32, #tpu.memory_space<hbm>>) target(%arg12 : memref<128x128xf32, #tpu.memory_space<vmem>>) offsets(%arg8 : memref<128xi32, #tpu.memory_space<vmem>>) semaphore(%arg14 : memref<!tpu.dma_semaphore, #tpu.memory_space<semaphore_mem>>)
    %scan3A = arith.constant 0 : i32
    %scan3A_16 = arith.constant 0 : i32
    %scan3A_17 = arith.constant 39 : i32
    %scan3A_18 = arith.addi %scan3A_16, %scan3A_17 : i32
    %scan3A_19 = arith.constant 1 : i32
    %scan3A_20 = scf.for %scan3A_34 = %scan3A_16 to %scan3A_18 step %scan3A_19 iter_args(%scan3A_35 = %scan3A) -> (i32)  : i32 {
      %mul3A_36 = arith.constant 2 : i32
      %mul3A_37 = arith.muli %mul3A_36, %scan3A_34 : i32
      %add3A_38 = arith.constant 0 : i32
      %add3A_39 = arith.addi %mul3A_37, %add3A_38 : i32
      %dma_wait3A_40 = arith.constant 0 : i32
      %dma_wait3A_41 = arith.constant 0 : i32
      %dma_wait3A_42 = tpu.memref_slice %arg4[%dma_wait3A_40, %dma_wait3A_41] : memref<10240x128xf32, #tpu.memory_space<hbm>> -> memref<10240x128xf32, #tpu.memory_space<hbm>>
      tpu.wait_indirect_dma semaphore(%arg13 : memref<!tpu.dma_semaphore, #tpu.memory_space<semaphore_mem>>) src(%dma_wait3A_42 : memref<10240x128xf32, #tpu.memory_space<hbm>>) dst(%arg11 : memref<128x128xf32, #tpu.memory_space<vmem>>)
      %dma_start3A_43 = arith.constant 0 : i32
      %dma_start3A_44 = arith.constant 0 : i32
      %dma_start3A_45 = tpu.memref_slice %arg20[%dma_start3A_43, %dma_start3A_44] : memref<10240x128xf32, #tpu.memory_space<vmem_shared>> -> memref<10240x128xf32, #tpu.memory_space<vmem_shared>>
      tpu.enqueue_indirect_dma source(%arg11 : memref<128x128xf32, #tpu.memory_space<vmem>>) target(%dma_start3A_45 : memref<10240x128xf32, #tpu.memory_space<vmem_shared>>) offsets(%arg9 : memref<128xi32, #tpu.memory_space<vmem>>) semaphore(%arg15 : memref<!tpu.dma_semaphore, #tpu.memory_space<semaphore_mem>>) {add = true}
      %add3A_46 = arith.constant 2 : i32
      %add3A_47 = arith.addi %add3A_39, %add3A_46 : i32
      %lt3A = arith.constant 78 : i32
      %lt3A_48 = arith.cmpi slt, %add3A_47, %lt3A : i32
      %convert_element_type3A = arith.extui %lt3A_48 : i1 to i32
      %cond3A = arith.constant 0 : i32
      %cond3A_49 = arith.cmpi ne, %convert_element_type3A, %cond3A : i32
      scf.if %cond3A_49 {
        %dma_wait3A_68 = arith.constant 0 : i32
        %dma_wait3A_69 = arith.constant 0 : i32
        %dma_wait3A_70 = tpu.memref_slice %arg20[%dma_wait3A_68, %dma_wait3A_69] : memref<10240x128xf32, #tpu.memory_space<vmem_shared>> -> memref<10240x128xf32, #tpu.memory_space<vmem_shared>>
        tpu.wait_indirect_dma semaphore(%arg15 : memref<!tpu.dma_semaphore, #tpu.memory_space<semaphore_mem>>) src(%arg11 : memref<128x128xf32, #tpu.memory_space<vmem>>) dst(%dma_wait3A_70 : memref<10240x128xf32, #tpu.memory_space<vmem_shared>>)
        %mul3A_71 = arith.constant 128 : i32
        %mul3A_72 = arith.muli %add3A_47, %mul3A_71 : i32
        %add3A_73 = arith.addi %mul3A_6, %mul3A_72 : i32
        "tpu.region"() ({
          %run_scoped3A = tpu.sem_alloc : memref<!tpu.dma_semaphore, #tpu.memory_space<semaphore_mem>>
          %dma_start3A_77 = tpu.memref_slice %arg2[%add3A_73] : memref<320000xi32, #tpu.memory_space<hbm>> -> memref<128xi32, #tpu.memory_space<hbm>>
          %dma_start3A_78 = tpu.memref_slice %arg2[%add3A_73] : memref<320000xi32, #tpu.memory_space<hbm>> -> memref<128xi32, #tpu.memory_space<hbm>>
          tpu.enqueue_dma source(%dma_start3A_78 : memref<128xi32, #tpu.memory_space<hbm>>) target(%arg7 : memref<128xi32, #tpu.memory_space<vmem>>) target_semaphore(%run_scoped3A : memref<!tpu.dma_semaphore, #tpu.memory_space<semaphore_mem>>)
          %dma_wait3A_79 = tpu.memref_slice %arg2[%add3A_73] : memref<320000xi32, #tpu.memory_space<hbm>> -> memref<128xi32, #tpu.memory_space<hbm>>
          %dma_wait3A_80 = tpu.memref_slice %arg2[%add3A_73] : memref<320000xi32, #tpu.memory_space<hbm>> -> memref<128xi32, #tpu.memory_space<hbm>>
          tpu.wait_dma2 semaphore(%run_scoped3A : memref<!tpu.dma_semaphore, #tpu.memory_space<semaphore_mem>>) src(%dma_wait3A_80 : memref<128xi32, #tpu.memory_space<hbm>>) dst(%arg7 : memref<128xi32, #tpu.memory_space<vmem>>)
          tpu.yield
        }) : () -> ()
        "tpu.region"() ({
          %run_scoped3A = tpu.sem_alloc : memref<!tpu.dma_semaphore, #tpu.memory_space<semaphore_mem>>
          %dma_start3A_77 = tpu.memref_slice %arg3[%add3A_73] : memref<320000xi32, #tpu.memory_space<hbm>> -> memref<128xi32, #tpu.memory_space<hbm>>
          %dma_start3A_78 = tpu.memref_slice %arg3[%add3A_73] : memref<320000xi32, #tpu.memory_space<hbm>> -> memref<128xi32, #tpu.memory_space<hbm>>
          tpu.enqueue_dma source(%dma_start3A_78 : memref<128xi32, #tpu.memory_space<hbm>>) target(%arg9 : memref<128xi32, #tpu.memory_space<vmem>>) target_semaphore(%run_scoped3A : memref<!tpu.dma_semaphore, #tpu.memory_space<semaphore_mem>>)
          %dma_wait3A_79 = tpu.memref_slice %arg3[%add3A_73] : memref<320000xi32, #tpu.memory_space<hbm>> -> memref<128xi32, #tpu.memory_space<hbm>>
          %dma_wait3A_80 = tpu.memref_slice %arg3[%add3A_73] : memref<320000xi32, #tpu.memory_space<hbm>> -> memref<128xi32, #tpu.memory_space<hbm>>
          tpu.wait_dma2 semaphore(%run_scoped3A : memref<!tpu.dma_semaphore, #tpu.memory_space<semaphore_mem>>) src(%dma_wait3A_80 : memref<128xi32, #tpu.memory_space<hbm>>) dst(%arg9 : memref<128xi32, #tpu.memory_space<vmem>>)
          tpu.yield
        }) : () -> ()
        %dma_start3A_74 = arith.constant 0 : i32
        %dma_start3A_75 = arith.constant 0 : i32
        %dma_start3A_76 = tpu.memref_slice %arg4[%dma_start3A_74, %dma_start3A_75] : memref<10240x128xf32, #tpu.memory_space<hbm>> -> memref<10240x128xf32, #tpu.memory_space<hbm>>
        tpu.enqueue_indirect_dma source(%dma_start3A_76 : memref<10240x128xf32, #tpu.memory_space<hbm>>) target(%arg11 : memref<128x128xf32, #tpu.memory_space<vmem>>) offsets(%arg7 : memref<128xi32, #tpu.memory_space<vmem>>) semaphore(%arg13 : memref<!tpu.dma_semaphore, #tpu.memory_space<semaphore_mem>>)
      } else {
      }
      %mul3A_50 = arith.constant 2 : i32
      %mul3A_51 = arith.muli %mul3A_50, %scan3A_34 : i32
      %add3A_52 = arith.constant 1 : i32
      %add3A_53 = arith.addi %mul3A_51, %add3A_52 : i32
      %dma_wait3A_54 = arith.constant 0 : i32
      %dma_wait3A_55 = arith.constant 0 : i32
      %dma_wait3A_56 = tpu.memref_slice %arg4[%dma_wait3A_54, %dma_wait3A_55] : memref<10240x128xf32, #tpu.memory_space<hbm>> -> memref<10240x128xf32, #tpu.memory_space<hbm>>
      tpu.wait_indirect_dma semaphore(%arg14 : memref<!tpu.dma_semaphore, #tpu.memory_space<semaphore_mem>>) src(%dma_wait3A_56 : memref<10240x128xf32, #tpu.memory_space<hbm>>) dst(%arg12 : memref<128x128xf32, #tpu.memory_space<vmem>>)
      %dma_start3A_57 = arith.constant 0 : i32
      %dma_start3A_58 = arith.constant 0 : i32
      %dma_start3A_59 = tpu.memref_slice %arg20[%dma_start3A_57, %dma_start3A_58] : memref<10240x128xf32, #tpu.memory_space<vmem_shared>> -> memref<10240x128xf32, #tpu.memory_space<vmem_shared>>
      tpu.enqueue_indirect_dma source(%arg12 : memref<128x128xf32, #tpu.memory_space<vmem>>) target(%dma_start3A_59 : memref<10240x128xf32, #tpu.memory_space<vmem_shared>>) offsets(%arg10 : memref<128xi32, #tpu.memory_space<vmem>>) semaphore(%arg16 : memref<!tpu.dma_semaphore, #tpu.memory_space<semaphore_mem>>) {add = true}
      %add3A_60 = arith.constant 2 : i32
      %add3A_61 = arith.addi %add3A_53, %add3A_60 : i32
      %lt3A_62 = arith.constant 78 : i32
      %lt3A_63 = arith.cmpi slt, %add3A_61, %lt3A_62 : i32
      %convert_element_type3A_64 = arith.extui %lt3A_63 : i1 to i32
      %cond3A_65 = arith.constant 0 : i32
      %cond3A_66 = arith.cmpi ne, %convert_element_type3A_64, %cond3A_65 : i32
      scf.if %cond3A_66 {
        %dma_wait3A_68 = arith.constant 0 : i32
        %dma_wait3A_69 = arith.constant 0 : i32
        %dma_wait3A_70 = tpu.memref_slice %arg20[%dma_wait3A_68, %dma_wait3A_69] : memref<10240x128xf32, #tpu.memory_space<vmem_shared>> -> memref<10240x128xf32, #tpu.memory_space<vmem_shared>>
        tpu.wait_indirect_dma semaphore(%arg16 : memref<!tpu.dma_semaphore, #tpu.memory_space<semaphore_mem>>) src(%arg12 : memref<128x128xf32, #tpu.memory_space<vmem>>) dst(%dma_wait3A_70 : memref<10240x128xf32, #tpu.memory_space<vmem_shared>>)
        %mul3A_71 = arith.constant 128 : i32
        %mul3A_72 = arith.muli %add3A_61, %mul3A_71 : i32
        %add3A_73 = arith.addi %mul3A_6, %mul3A_72 : i32
        "tpu.region"() ({
          %run_scoped3A = tpu.sem_alloc : memref<!tpu.dma_semaphore, #tpu.memory_space<semaphore_mem>>
          %dma_start3A_77 = tpu.memref_slice %arg2[%add3A_73] : memref<320000xi32, #tpu.memory_space<hbm>> -> memref<128xi32, #tpu.memory_space<hbm>>
          %dma_start3A_78 = tpu.memref_slice %arg2[%add3A_73] : memref<320000xi32, #tpu.memory_space<hbm>> -> memref<128xi32, #tpu.memory_space<hbm>>
          tpu.enqueue_dma source(%dma_start3A_78 : memref<128xi32, #tpu.memory_space<hbm>>) target(%arg8 : memref<128xi32, #tpu.memory_space<vmem>>) target_semaphore(%run_scoped3A : memref<!tpu.dma_semaphore, #tpu.memory_space<semaphore_mem>>)
          %dma_wait3A_79 = tpu.memref_slice %arg2[%add3A_73] : memref<320000xi32, #tpu.memory_space<hbm>> -> memref<128xi32, #tpu.memory_space<hbm>>
          %dma_wait3A_80 = tpu.memref_slice %arg2[%add3A_73] : memref<320000xi32, #tpu.memory_space<hbm>> -> memref<128xi32, #tpu.memory_space<hbm>>
          tpu.wait_dma2 semaphore(%run_scoped3A : memref<!tpu.dma_semaphore, #tpu.memory_space<semaphore_mem>>) src(%dma_wait3A_80 : memref<128xi32, #tpu.memory_space<hbm>>) dst(%arg8 : memref<128xi32, #tpu.memory_space<vmem>>)
          tpu.yield
        }) : () -> ()
        "tpu.region"() ({
          %run_scoped3A = tpu.sem_alloc : memref<!tpu.dma_semaphore, #tpu.memory_space<semaphore_mem>>
          %dma_start3A_77 = tpu.memref_slice %arg3[%add3A_73] : memref<320000xi32, #tpu.memory_space<hbm>> -> memref<128xi32, #tpu.memory_space<hbm>>
          %dma_start3A_78 = tpu.memref_slice %arg3[%add3A_73] : memref<320000xi32, #tpu.memory_space<hbm>> -> memref<128xi32, #tpu.memory_space<hbm>>
          tpu.enqueue_dma source(%dma_start3A_78 : memref<128xi32, #tpu.memory_space<hbm>>) target(%arg10 : memref<128xi32, #tpu.memory_space<vmem>>) target_semaphore(%run_scoped3A : memref<!tpu.dma_semaphore, #tpu.memory_space<semaphore_mem>>)
          %dma_wait3A_79 = tpu.memref_slice %arg3[%add3A_73] : memref<320000xi32, #tpu.memory_space<hbm>> -> memref<128xi32, #tpu.memory_space<hbm>>
          %dma_wait3A_80 = tpu.memref_slice %arg3[%add3A_73] : memref<320000xi32, #tpu.memory_space<hbm>> -> memref<128xi32, #tpu.memory_space<hbm>>
          tpu.wait_dma2 semaphore(%run_scoped3A : memref<!tpu.dma_semaphore, #tpu.memory_space<semaphore_mem>>) src(%dma_wait3A_80 : memref<128xi32, #tpu.memory_space<hbm>>) dst(%arg10 : memref<128xi32, #tpu.memory_space<vmem>>)
          tpu.yield
        }) : () -> ()
        %dma_start3A_74 = arith.constant 0 : i32
        %dma_start3A_75 = arith.constant 0 : i32
        %dma_start3A_76 = tpu.memref_slice %arg4[%dma_start3A_74, %dma_start3A_75] : memref<10240x128xf32, #tpu.memory_space<hbm>> -> memref<10240x128xf32, #tpu.memory_space<hbm>>
        tpu.enqueue_indirect_dma source(%dma_start3A_76 : memref<10240x128xf32, #tpu.memory_space<hbm>>) target(%arg12 : memref<128x128xf32, #tpu.memory_space<vmem>>) offsets(%arg8 : memref<128xi32, #tpu.memory_space<vmem>>) semaphore(%arg14 : memref<!tpu.dma_semaphore, #tpu.memory_space<semaphore_mem>>)
      } else {
      }
      %scan3A_67 = arith.constant 0 : i32
      scf.yield %scan3A_67 : i32
    }
    %scan3A_21 = arith.constant 39 : i32
    %dma_wait3A = arith.constant 0 : i32
    %dma_wait3A_22 = arith.constant 0 : i32
    %dma_wait3A_23 = tpu.memref_slice %arg20[%dma_wait3A, %dma_wait3A_22] : memref<10240x128xf32, #tpu.memory_space<vmem_shared>> -> memref<10240x128xf32, #tpu.memory_space<vmem_shared>>
    tpu.wait_indirect_dma semaphore(%arg15 : memref<!tpu.dma_semaphore, #tpu.memory_space<semaphore_mem>>) src(%arg11 : memref<128x128xf32, #tpu.memory_space<vmem>>) dst(%dma_wait3A_23 : memref<10240x128xf32, #tpu.memory_space<vmem_shared>>)
    %dma_wait3A_24 = arith.constant 0 : i32
    %dma_wait3A_25 = arith.constant 0 : i32
    %dma_wait3A_26 = tpu.memref_slice %arg20[%dma_wait3A_24, %dma_wait3A_25] : memref<10240x128xf32, #tpu.memory_space<vmem_shared>> -> memref<10240x128xf32, #tpu.memory_space<vmem_shared>>
    tpu.wait_indirect_dma semaphore(%arg16 : memref<!tpu.dma_semaphore, #tpu.memory_space<semaphore_mem>>) src(%arg12 : memref<128x128xf32, #tpu.memory_space<vmem>>) dst(%dma_wait3A_26 : memref<10240x128xf32, #tpu.memory_space<vmem_shared>>)
    %add3A_27 = arith.constant 9984 : i32
    %add3A_28 = arith.addi %mul3A_6, %add3A_27 : i32
    "tpu.region"() ({
      %run_scoped3A = tpu.sem_alloc : memref<!tpu.dma_semaphore, #tpu.memory_space<semaphore_mem>>
      %dma_start3A_34 = tpu.memref_slice %arg2[%add3A_28] : memref<320000xi32, #tpu.memory_space<hbm>> -> memref<16xi32, #tpu.memory_space<hbm>>
      %dma_start3A_35 = tpu.memref_slice %arg2[%add3A_28] : memref<320000xi32, #tpu.memory_space<hbm>> -> memref<16xi32, #tpu.memory_space<hbm>>
      tpu.enqueue_dma source(%dma_start3A_35 : memref<16xi32, #tpu.memory_space<hbm>>) target(%arg17 : memref<16xi32, #tpu.memory_space<vmem>>) target_semaphore(%run_scoped3A : memref<!tpu.dma_semaphore, #tpu.memory_space<semaphore_mem>>)
      %dma_wait3A_36 = tpu.memref_slice %arg2[%add3A_28] : memref<320000xi32, #tpu.memory_space<hbm>> -> memref<16xi32, #tpu.memory_space<hbm>>
      %dma_wait3A_37 = tpu.memref_slice %arg2[%add3A_28] : memref<320000xi32, #tpu.memory_space<hbm>> -> memref<16xi32, #tpu.memory_space<hbm>>
      tpu.wait_dma2 semaphore(%run_scoped3A : memref<!tpu.dma_semaphore, #tpu.memory_space<semaphore_mem>>) src(%dma_wait3A_37 : memref<16xi32, #tpu.memory_space<hbm>>) dst(%arg17 : memref<16xi32, #tpu.memory_space<vmem>>)
      tpu.yield
    }) : () -> ()
    "tpu.region"() ({
      %run_scoped3A = tpu.sem_alloc : memref<!tpu.dma_semaphore, #tpu.memory_space<semaphore_mem>>
      %dma_start3A_34 = tpu.memref_slice %arg3[%add3A_28] : memref<320000xi32, #tpu.memory_space<hbm>> -> memref<16xi32, #tpu.memory_space<hbm>>
      %dma_start3A_35 = tpu.memref_slice %arg3[%add3A_28] : memref<320000xi32, #tpu.memory_space<hbm>> -> memref<16xi32, #tpu.memory_space<hbm>>
      tpu.enqueue_dma source(%dma_start3A_35 : memref<16xi32, #tpu.memory_space<hbm>>) target(%arg18 : memref<16xi32, #tpu.memory_space<vmem>>) target_semaphore(%run_scoped3A : memref<!tpu.dma_semaphore, #tpu.memory_space<semaphore_mem>>)
      %dma_wait3A_36 = tpu.memref_slice %arg3[%add3A_28] : memref<320000xi32, #tpu.memory_space<hbm>> -> memref<16xi32, #tpu.memory_space<hbm>>
      %dma_wait3A_37 = tpu.memref_slice %arg3[%add3A_28] : memref<320000xi32, #tpu.memory_space<hbm>> -> memref<16xi32, #tpu.memory_space<hbm>>
      tpu.wait_dma2 semaphore(%run_scoped3A : memref<!tpu.dma_semaphore, #tpu.memory_space<semaphore_mem>>) src(%dma_wait3A_37 : memref<16xi32, #tpu.memory_space<hbm>>) dst(%arg18 : memref<16xi32, #tpu.memory_space<vmem>>)
      tpu.yield
    }) : () -> ()
    "tpu.region"() ({
      %run_scoped3A = tpu.sem_alloc : memref<!tpu.dma_semaphore, #tpu.memory_space<semaphore_mem>>
      %dma_start3A_34 = arith.constant 0 : i32
      %dma_start3A_35 = arith.constant 0 : i32
      %dma_start3A_36 = tpu.memref_slice %arg4[%dma_start3A_34, %dma_start3A_35] : memref<10240x128xf32, #tpu.memory_space<hbm>> -> memref<10240x128xf32, #tpu.memory_space<hbm>>
      tpu.enqueue_indirect_dma source(%dma_start3A_36 : memref<10240x128xf32, #tpu.memory_space<hbm>>) target(%arg19 : memref<16x128xf32, #tpu.memory_space<vmem>>) offsets(%arg17 : memref<16xi32, #tpu.memory_space<vmem>>) semaphore(%run_scoped3A : memref<!tpu.dma_semaphore, #tpu.memory_space<semaphore_mem>>)
      %dma_wait3A_37 = arith.constant 0 : i32
      %dma_wait3A_38 = arith.constant 0 : i32
      %dma_wait3A_39 = tpu.memref_slice %arg4[%dma_wait3A_37, %dma_wait3A_38] : memref<10240x128xf32, #tpu.memory_space<hbm>> -> memref<10240x128xf32, #tpu.memory_space<hbm>>
      tpu.wait_indirect_dma semaphore(%run_scoped3A : memref<!tpu.dma_semaphore, #tpu.memory_space<semaphore_mem>>) src(%dma_wait3A_39 : memref<10240x128xf32, #tpu.memory_space<hbm>>) dst(%arg19 : memref<16x128xf32, #tpu.memory_space<vmem>>)
      tpu.yield
    }) : () -> ()
    "tpu.region"() ({
      %run_scoped3A = tpu.sem_alloc : memref<!tpu.dma_semaphore, #tpu.memory_space<semaphore_mem>>
      %dma_start3A_34 = arith.constant 0 : i32
      %dma_start3A_35 = arith.constant 0 : i32
      %dma_start3A_36 = tpu.memref_slice %arg20[%dma_start3A_34, %dma_start3A_35] : memref<10240x128xf32, #tpu.memory_space<vmem_shared>> -> memref<10240x128xf32, #tpu.memory_space<vmem_shared>>
      tpu.enqueue_indirect_dma source(%arg19 : memref<16x128xf32, #tpu.memory_space<vmem>>) target(%dma_start3A_36 : memref<10240x128xf32, #tpu.memory_space<vmem_shared>>) offsets(%arg18 : memref<16xi32, #tpu.memory_space<vmem>>) semaphore(%run_scoped3A : memref<!tpu.dma_semaphore, #tpu.memory_space<semaphore_mem>>) {add = true}
      %dma_wait3A_37 = arith.constant 0 : i32
      %dma_wait3A_38 = arith.constant 0 : i32
      %dma_wait3A_39 = tpu.memref_slice %arg20[%dma_wait3A_37, %dma_wait3A_38] : memref<10240x128xf32, #tpu.memory_space<vmem_shared>> -> memref<10240x128xf32, #tpu.memory_space<vmem_shared>>
      tpu.wait_indirect_dma semaphore(%run_scoped3A : memref<!tpu.dma_semaphore, #tpu.memory_space<semaphore_mem>>) src(%arg19 : memref<16x128xf32, #tpu.memory_space<vmem>>) dst(%dma_wait3A_39 : memref<10240x128xf32, #tpu.memory_space<vmem_shared>>)
      tpu.yield
    }) : () -> ()
    %barrier3A_29 = arith.constant 0 : index
    tpu.barrier barrier_id(%barrier3A_29)
    %mul3A_30 = arith.constant 640 : i32
    %mul3A_31 = arith.muli %arg1, %mul3A_30 : i32
    %mul3A_32 = arith.constant 640 : i32
    %mul3A_33 = arith.muli %arg1, %mul3A_32 : i32
    "tpu.region"() ({
      %run_scoped3A = tpu.sem_alloc : memref<!tpu.dma_semaphore, #tpu.memory_space<semaphore_mem>>
      %dma_start3A_34 = arith.constant 0 : i32
      %dma_start3A_35 = tpu.memref_slice %arg6[%arg0, %mul3A_33, %dma_start3A_34] : memref<2x10240x128xf32, #tpu.memory_space<hbm>> -> memref<1x640x128xf32, #tpu.memory_space<hbm>>
      %dma_start3A_36 = tpu.memref_squeeze %dma_start3A_35 : memref<1x640x128xf32, #tpu.memory_space<hbm>> -> memref<640x128xf32, #tpu.memory_space<hbm>>
      %dma_start3A_37 = arith.constant 0 : i32
      %dma_start3A_38 = tpu.memref_slice %arg20[%mul3A_31, %dma_start3A_37] : memref<10240x128xf32, #tpu.memory_space<vmem_shared>> -> memref<640x128xf32, #tpu.memory_space<vmem_shared>>
      tpu.enqueue_dma source(%dma_start3A_38 : memref<640x128xf32, #tpu.memory_space<vmem_shared>>) target(%dma_start3A_36 : memref<640x128xf32, #tpu.memory_space<hbm>>) target_semaphore(%run_scoped3A : memref<!tpu.dma_semaphore, #tpu.memory_space<semaphore_mem>>)
      %dma_wait3A_39 = arith.constant 0 : i32
      %dma_wait3A_40 = tpu.memref_slice %arg6[%arg0, %mul3A_33, %dma_wait3A_39] : memref<2x10240x128xf32, #tpu.memory_space<hbm>> -> memref<1x640x128xf32, #tpu.memory_space<hbm>>
      %dma_wait3A_41 = tpu.memref_squeeze %dma_wait3A_40 : memref<1x640x128xf32, #tpu.memory_space<hbm>> -> memref<640x128xf32, #tpu.memory_space<hbm>>
      %dma_wait3A_42 = arith.constant 0 : i32
      %dma_wait3A_43 = tpu.memref_slice %arg20[%mul3A_31, %dma_wait3A_42] : memref<10240x128xf32, #tpu.memory_space<vmem_shared>> -> memref<640x128xf32, #tpu.memory_space<vmem_shared>>
      tpu.wait_dma2 semaphore(%run_scoped3A : memref<!tpu.dma_semaphore, #tpu.memory_space<semaphore_mem>>) src(%dma_wait3A_43 : memref<640x128xf32, #tpu.memory_space<vmem_shared>>) dst(%dma_wait3A_41 : memref<640x128xf32, #tpu.memory_space<hbm>>)
      tpu.yield
    }) : () -> ()
    return
  }
}

#map = affine_map<(d0, d1) -> (0)>
#map1 = affine_map<(d0, d1) -> (0, 0)>
module attributes {stable_mosaic.version = 14 : i64} {
  func.func @_sc_degree(%arg0: i32, %arg1: i32, %arg2: memref<320000xi32, #tpu.memory_space<hbm>>, %arg3: memref<20480xf32, #tpu.memory_space<hbm>>, %arg4: memref<2x10240xf32, #tpu.memory_space<hbm>>, %arg5: memref<128xi32, #tpu.memory_space<vmem>>, %arg6: memref<128xf32, #tpu.memory_space<vmem>>, %arg7: memref<16xi32, #tpu.memory_space<vmem>>, %arg8: memref<16xf32, #tpu.memory_space<vmem>>, %arg9: memref<10240xf32, #tpu.memory_space<vmem_shared>>) attributes {dimension_semantics = [#tpu.dimension_semantics<core_parallel>, #tpu.dimension_semantics<subcore_parallel>], iteration_bounds = array<i64: 2, 16>, scalar_prefetch = 0 : i64, scratch_operands = 5 : i64, tpu.core_type = #tpu.core_type<sc_vector_subcore>, window_params = [{transform_indices = #map}, {transform_indices = #map}, {transform_indices = #map1}]} {
    %broadcast_in_dim3A = arith.constant 1.000000e+00 : f32
    %broadcast_in_dim3A_0 = vector.broadcast %broadcast_in_dim3A : f32 to vector<16xf32>
    %swap3A = arith.constant 0 : index
    %swap3A_1 = tpu.vector_load %arg6[%swap3A] {strides = array<i32>} : memref<128xf32, #tpu.memory_space<vmem>>, vector<16xf32>,
    tpu.vector_store %arg6[%swap3A], %broadcast_in_dim3A_0 {strides = array<i32>} : memref<128xf32, #tpu.memory_space<vmem>>, vector<16xf32>,
    %broadcast_in_dim3A_2 = arith.constant 1.000000e+00 : f32
    %broadcast_in_dim3A_3 = vector.broadcast %broadcast_in_dim3A_2 : f32 to vector<16xf32>
    %swap3A_4 = arith.constant 16 : index
    %swap3A_5 = tpu.vector_load %arg6[%swap3A_4] {strides = array<i32>} : memref<128xf32, #tpu.memory_space<vmem>>, vector<16xf32>,
    tpu.vector_store %arg6[%swap3A_4], %broadcast_in_dim3A_3 {strides = array<i32>} : memref<128xf32, #tpu.memory_space<vmem>>, vector<16xf32>,
    %broadcast_in_dim3A_6 = arith.constant 1.000000e+00 : f32
    %broadcast_in_dim3A_7 = vector.broadcast %broadcast_in_dim3A_6 : f32 to vector<16xf32>
    %swap3A_8 = arith.constant 32 : index
    %swap3A_9 = tpu.vector_load %arg6[%swap3A_8] {strides = array<i32>} : memref<128xf32, #tpu.memory_space<vmem>>, vector<16xf32>,
    tpu.vector_store %arg6[%swap3A_8], %broadcast_in_dim3A_7 {strides = array<i32>} : memref<128xf32, #tpu.memory_space<vmem>>, vector<16xf32>,
    %broadcast_in_dim3A_10 = arith.constant 1.000000e+00 : f32
    %broadcast_in_dim3A_11 = vector.broadcast %broadcast_in_dim3A_10 : f32 to vector<16xf32>
    %swap3A_12 = arith.constant 48 : index
    %swap3A_13 = tpu.vector_load %arg6[%swap3A_12] {strides = array<i32>} : memref<128xf32, #tpu.memory_space<vmem>>, vector<16xf32>,
    tpu.vector_store %arg6[%swap3A_12], %broadcast_in_dim3A_11 {strides = array<i32>} : memref<128xf32, #tpu.memory_space<vmem>>, vector<16xf32>,
    %broadcast_in_dim3A_14 = arith.constant 1.000000e+00 : f32
    %broadcast_in_dim3A_15 = vector.broadcast %broadcast_in_dim3A_14 : f32 to vector<16xf32>
    %swap3A_16 = arith.constant 64 : index
    %swap3A_17 = tpu.vector_load %arg6[%swap3A_16] {strides = array<i32>} : memref<128xf32, #tpu.memory_space<vmem>>, vector<16xf32>,
    tpu.vector_store %arg6[%swap3A_16], %broadcast_in_dim3A_15 {strides = array<i32>} : memref<128xf32, #tpu.memory_space<vmem>>, vector<16xf32>,
    %broadcast_in_dim3A_18 = arith.constant 1.000000e+00 : f32
    %broadcast_in_dim3A_19 = vector.broadcast %broadcast_in_dim3A_18 : f32 to vector<16xf32>
    %swap3A_20 = arith.constant 80 : index
    %swap3A_21 = tpu.vector_load %arg6[%swap3A_20] {strides = array<i32>} : memref<128xf32, #tpu.memory_space<vmem>>, vector<16xf32>,
    tpu.vector_store %arg6[%swap3A_20], %broadcast_in_dim3A_19 {strides = array<i32>} : memref<128xf32, #tpu.memory_space<vmem>>, vector<16xf32>,
    %broadcast_in_dim3A_22 = arith.constant 1.000000e+00 : f32
    %broadcast_in_dim3A_23 = vector.broadcast %broadcast_in_dim3A_22 : f32 to vector<16xf32>
    %swap3A_24 = arith.constant 96 : index
    %swap3A_25 = tpu.vector_load %arg6[%swap3A_24] {strides = array<i32>} : memref<128xf32, #tpu.memory_space<vmem>>, vector<16xf32>,
    tpu.vector_store %arg6[%swap3A_24], %broadcast_in_dim3A_23 {strides = array<i32>} : memref<128xf32, #tpu.memory_space<vmem>>, vector<16xf32>,
    %broadcast_in_dim3A_26 = arith.constant 1.000000e+00 : f32
    %broadcast_in_dim3A_27 = vector.broadcast %broadcast_in_dim3A_26 : f32 to vector<16xf32>
    %swap3A_28 = arith.constant 112 : index
    %swap3A_29 = tpu.vector_load %arg6[%swap3A_28] {strides = array<i32>} : memref<128xf32, #tpu.memory_space<vmem>>, vector<16xf32>,
    tpu.vector_store %arg6[%swap3A_28], %broadcast_in_dim3A_27 {strides = array<i32>} : memref<128xf32, #tpu.memory_space<vmem>>, vector<16xf32>,
    %broadcast_in_dim3A_30 = arith.constant 1.000000e+00 : f32
    %broadcast_in_dim3A_31 = vector.broadcast %broadcast_in_dim3A_30 : f32 to vector<16xf32>
    %swap3A_32 = arith.constant 0 : index
    %swap3A_33 = tpu.vector_load %arg8[%swap3A_32] {strides = array<i32>} : memref<16xf32, #tpu.memory_space<vmem>>, vector<16xf32>,
    tpu.vector_store %arg8[%swap3A_32], %broadcast_in_dim3A_31 {strides = array<i32>} : memref<16xf32, #tpu.memory_space<vmem>>, vector<16xf32>,
    %mul3A = arith.constant 640 : i32
    %mul3A_34 = arith.muli %arg1, %mul3A : i32
    "tpu.region"() ({
      %run_scoped3A = tpu.sem_alloc : memref<!tpu.dma_semaphore, #tpu.memory_space<semaphore_mem>>
      %dma_start3A = tpu.memref_slice %arg9[%mul3A_34] : memref<10240xf32, #tpu.memory_space<vmem_shared>> -> memref<640xf32, #tpu.memory_space<vmem_shared>>
      %dma_start3A_52 = arith.constant 0 : i32
      %dma_start3A_53 = tpu.memref_slice %arg3[%dma_start3A_52] : memref<20480xf32, #tpu.memory_space<hbm>> -> memref<640xf32, #tpu.memory_space<hbm>>
      tpu.enqueue_dma source(%dma_start3A_53 : memref<640xf32, #tpu.memory_space<hbm>>) target(%dma_start3A : memref<640xf32, #tpu.memory_space<vmem_shared>>) target_semaphore(%run_scoped3A : memref<!tpu.dma_semaphore, #tpu.memory_space<semaphore_mem>>)
      %dma_wait3A = tpu.memref_slice %arg9[%mul3A_34] : memref<10240xf32, #tpu.memory_space<vmem_shared>> -> memref<640xf32, #tpu.memory_space<vmem_shared>>
      %dma_wait3A_54 = arith.constant 0 : i32
      %dma_wait3A_55 = tpu.memref_slice %arg3[%dma_wait3A_54] : memref<20480xf32, #tpu.memory_space<hbm>> -> memref<640xf32, #tpu.memory_space<hbm>>
      tpu.wait_dma2 semaphore(%run_scoped3A : memref<!tpu.dma_semaphore, #tpu.memory_space<semaphore_mem>>) src(%dma_wait3A_55 : memref<640xf32, #tpu.memory_space<hbm>>) dst(%dma_wait3A : memref<640xf32, #tpu.memory_space<vmem_shared>>)
      tpu.yield
    }) : () -> ()
    %barrier3A = arith.constant 0 : index
    tpu.barrier barrier_id(%barrier3A)
    %mul3A_35 = arith.constant 16 : i32
    %mul3A_36 = arith.muli %arg0, %mul3A_35 : i32
    %add3A = arith.addi %mul3A_36, %arg1 : i32
    %mul3A_37 = arith.constant 10000 : i32
    %mul3A_38 = arith.muli %add3A, %mul3A_37 : i32
    %scan3A = arith.constant 0 : i32
    %scan3A_39 = arith.constant 0 : i32
    %scan3A_40 = arith.constant 78 : i32
    %scan3A_41 = arith.addi %scan3A_39, %scan3A_40 : i32
    %scan3A_42 = arith.constant 1 : i32
    %scan3A_43 = scf.for %scan3A_52 = %scan3A_39 to %scan3A_41 step %scan3A_42 iter_args(%scan3A_53 = %scan3A) -> (i32)  : i32 {
      %mul3A_54 = arith.constant 128 : i32
      %mul3A_55 = arith.muli %scan3A_52, %mul3A_54 : i32
      %add3A_56 = arith.addi %mul3A_38, %mul3A_55 : i32
      "tpu.region"() ({
        %run_scoped3A = tpu.sem_alloc : memref<!tpu.dma_semaphore, #tpu.memory_space<semaphore_mem>>
        %dma_start3A = tpu.memref_slice %arg2[%add3A_56] : memref<320000xi32, #tpu.memory_space<hbm>> -> memref<128xi32, #tpu.memory_space<hbm>>
        %dma_start3A_58 = tpu.memref_slice %arg2[%add3A_56] : memref<320000xi32, #tpu.memory_space<hbm>> -> memref<128xi32, #tpu.memory_space<hbm>>
        tpu.enqueue_dma source(%dma_start3A_58 : memref<128xi32, #tpu.memory_space<hbm>>) target(%arg5 : memref<128xi32, #tpu.memory_space<vmem>>) target_semaphore(%run_scoped3A : memref<!tpu.dma_semaphore, #tpu.memory_space<semaphore_mem>>)
        %dma_wait3A = tpu.memref_slice %arg2[%add3A_56] : memref<320000xi32, #tpu.memory_space<hbm>> -> memref<128xi32, #tpu.memory_space<hbm>>
        %dma_wait3A_59 = tpu.memref_slice %arg2[%add3A_56] : memref<320000xi32, #tpu.memory_space<hbm>> -> memref<128xi32, #tpu.memory_space<hbm>>
        tpu.wait_dma2 semaphore(%run_scoped3A : memref<!tpu.dma_semaphore, #tpu.memory_space<semaphore_mem>>) src(%dma_wait3A_59 : memref<128xi32, #tpu.memory_space<hbm>>) dst(%arg5 : memref<128xi32, #tpu.memory_space<vmem>>)
        tpu.yield
      }) : () -> ()
      "tpu.region"() ({
        %run_scoped3A = tpu.sem_alloc : memref<!tpu.dma_semaphore, #tpu.memory_space<semaphore_mem>>
        %dma_start3A = arith.constant 0 : i32
        %dma_start3A_58 = tpu.memref_slice %arg9[%dma_start3A] : memref<10240xf32, #tpu.memory_space<vmem_shared>> -> memref<10240xf32, #tpu.memory_space<vmem_shared>>
        tpu.enqueue_indirect_dma source(%arg6 : memref<128xf32, #tpu.memory_space<vmem>>) target(%dma_start3A_58 : memref<10240xf32, #tpu.memory_space<vmem_shared>>) offsets(%arg5 : memref<128xi32, #tpu.memory_space<vmem>>) semaphore(%run_scoped3A : memref<!tpu.dma_semaphore, #tpu.memory_space<semaphore_mem>>) {add = true}
        %dma_wait3A = arith.constant 0 : i32
        %dma_wait3A_59 = tpu.memref_slice %arg9[%dma_wait3A] : memref<10240xf32, #tpu.memory_space<vmem_shared>> -> memref<10240xf32, #tpu.memory_space<vmem_shared>>
        tpu.wait_indirect_dma semaphore(%run_scoped3A : memref<!tpu.dma_semaphore, #tpu.memory_space<semaphore_mem>>) src(%arg6 : memref<128xf32, #tpu.memory_space<vmem>>) dst(%dma_wait3A_59 : memref<10240xf32, #tpu.memory_space<vmem_shared>>)
        tpu.yield
      }) : () -> ()
      %scan3A_57 = arith.constant 0 : i32
      scf.yield %scan3A_57 : i32
    }
    %scan3A_44 = arith.constant 78 : i32
    %add3A_45 = arith.constant 9984 : i32
    %add3A_46 = arith.addi %mul3A_38, %add3A_45 : i32
    "tpu.region"() ({
      %run_scoped3A = tpu.sem_alloc : memref<!tpu.dma_semaphore, #tpu.memory_space<semaphore_mem>>
      %dma_start3A = tpu.memref_slice %arg2[%add3A_46] : memref<320000xi32, #tpu.memory_space<hbm>> -> memref<16xi32, #tpu.memory_space<hbm>>
      %dma_start3A_52 = tpu.memref_slice %arg2[%add3A_46] : memref<320000xi32, #tpu.memory_space<hbm>> -> memref<16xi32, #tpu.memory_space<hbm>>
      tpu.enqueue_dma source(%dma_start3A_52 : memref<16xi32, #tpu.memory_space<hbm>>) target(%arg7 : memref<16xi32, #tpu.memory_space<vmem>>) target_semaphore(%run_scoped3A : memref<!tpu.dma_semaphore, #tpu.memory_space<semaphore_mem>>)
      %dma_wait3A = tpu.memref_slice %arg2[%add3A_46] : memref<320000xi32, #tpu.memory_space<hbm>> -> memref<16xi32, #tpu.memory_space<hbm>>
      %dma_wait3A_53 = tpu.memref_slice %arg2[%add3A_46] : memref<320000xi32, #tpu.memory_space<hbm>> -> memref<16xi32, #tpu.memory_space<hbm>>
      tpu.wait_dma2 semaphore(%run_scoped3A : memref<!tpu.dma_semaphore, #tpu.memory_space<semaphore_mem>>) src(%dma_wait3A_53 : memref<16xi32, #tpu.memory_space<hbm>>) dst(%arg7 : memref<16xi32, #tpu.memory_space<vmem>>)
      tpu.yield
    }) : () -> ()
    "tpu.region"() ({
      %run_scoped3A = tpu.sem_alloc : memref<!tpu.dma_semaphore, #tpu.memory_space<semaphore_mem>>
      %dma_start3A = arith.constant 0 : i32
      %dma_start3A_52 = tpu.memref_slice %arg9[%dma_start3A] : memref<10240xf32, #tpu.memory_space<vmem_shared>> -> memref<10240xf32, #tpu.memory_space<vmem_shared>>
      tpu.enqueue_indirect_dma source(%arg8 : memref<16xf32, #tpu.memory_space<vmem>>) target(%dma_start3A_52 : memref<10240xf32, #tpu.memory_space<vmem_shared>>) offsets(%arg7 : memref<16xi32, #tpu.memory_space<vmem>>) semaphore(%run_scoped3A : memref<!tpu.dma_semaphore, #tpu.memory_space<semaphore_mem>>) {add = true}
      %dma_wait3A = arith.constant 0 : i32
      %dma_wait3A_53 = tpu.memref_slice %arg9[%dma_wait3A] : memref<10240xf32, #tpu.memory_space<vmem_shared>> -> memref<10240xf32, #tpu.memory_space<vmem_shared>>
      tpu.wait_indirect_dma semaphore(%run_scoped3A : memref<!tpu.dma_semaphore, #tpu.memory_space<semaphore_mem>>) src(%arg8 : memref<16xf32, #tpu.memory_space<vmem>>) dst(%dma_wait3A_53 : memref<10240xf32, #tpu.memory_space<vmem_shared>>)
      tpu.yield
    }) : () -> ()
    %barrier3A_47 = arith.constant 0 : index
    tpu.barrier barrier_id(%barrier3A_47)
    %mul3A_48 = arith.constant 640 : i32
    %mul3A_49 = arith.muli %arg1, %mul3A_48 : i32
    %mul3A_50 = arith.constant 640 : i32
    %mul3A_51 = arith.muli %arg1, %mul3A_50 : i32
    "tpu.region"() ({
      %run_scoped3A = tpu.sem_alloc : memref<!tpu.dma_semaphore, #tpu.memory_space<semaphore_mem>>
      %dma_start3A = tpu.memref_slice %arg4[%arg0, %mul3A_51] : memref<2x10240xf32, #tpu.memory_space<hbm>> -> memref<1x640xf32, #tpu.memory_space<hbm>>
      %dma_start3A_52 = tpu.memref_squeeze %dma_start3A : memref<1x640xf32, #tpu.memory_space<hbm>> -> memref<640xf32, #tpu.memory_space<hbm>>
      %dma_start3A_53 = tpu.memref_slice %arg9[%mul3A_49] : memref<10240xf32, #tpu.memory_space<vmem_shared>> -> memref<640xf32, #tpu.memory_space<vmem_shared>>
      tpu.enqueue_dma source(%dma_start3A_53 : memref<640xf32, #tpu.memory_space<vmem_shared>>) target(%dma_start3A_52 : memref<640xf32, #tpu.memory_space<hbm>>) target_semaphore(%run_scoped3A : memref<!tpu.dma_semaphore, #tpu.memory_space<semaphore_mem>>)
      %dma_wait3A = tpu.memref_slice %arg4[%arg0, %mul3A_51] : memref<2x10240xf32, #tpu.memory_space<hbm>> -> memref<1x640xf32, #tpu.memory_space<hbm>>
      %dma_wait3A_54 = tpu.memref_squeeze %dma_wait3A : memref<1x640xf32, #tpu.memory_space<hbm>> -> memref<640xf32, #tpu.memory_space<hbm>>
      %dma_wait3A_55 = tpu.memref_slice %arg9[%mul3A_49] : memref<10240xf32, #tpu.memory_space<vmem_shared>> -> memref<640xf32, #tpu.memory_space<vmem_shared>>
      tpu.wait_dma2 semaphore(%run_scoped3A : memref<!tpu.dma_semaphore, #tpu.memory_space<semaphore_mem>>) src(%dma_wait3A_55 : memref<640xf32, #tpu.memory_space<vmem_shared>>) dst(%dma_wait3A_54 : memref<640xf32, #tpu.memory_space<hbm>>)
      tpu.yield
    }) : () -> ()
    return
  }
}

#map = affine_map<(d0, d1) -> (0)>
#map1 = affine_map<(d0, d1) -> (0, 0)>
module attributes {stable_mosaic.version = 14 : i64} {
  func.func @_sc_hist(%arg0: i32, %arg1: i32, %arg2: memref<320000xi32, #tpu.memory_space<hbm>>, %arg3: memref<320000xi32, #tpu.memory_space<hbm>>, %arg4: memref<10240xi32, #tpu.memory_space<hbm>>, %arg5: memref<10240xf32, #tpu.memory_space<hbm>>, %arg6: memref<20480xf32, #tpu.memory_space<hbm>>, %arg7: memref<2x327680xf32, #tpu.memory_space<hbm>>, %arg8: memref<10240xi32, #tpu.memory_space<vmem>>, %arg9: memref<10240xf32, #tpu.memory_space<vmem>>, %arg10: memref<128xi32, #tpu.memory_space<vmem>>, %arg11: memref<128xi32, #tpu.memory_space<vmem>>, %arg12: memref<128xi32, #tpu.memory_space<vmem>>, %arg13: memref<128xf32, #tpu.memory_space<vmem>>, %arg14: memref<16xi32, #tpu.memory_space<vmem>>, %arg15: memref<16xi32, #tpu.memory_space<vmem>>, %arg16: memref<16xi32, #tpu.memory_space<vmem>>, %arg17: memref<16xf32, #tpu.memory_space<vmem>>, %arg18: memref<327680xf32, #tpu.memory_space<vmem_shared>>) attributes {dimension_semantics = [#tpu.dimension_semantics<core_parallel>, #tpu.dimension_semantics<subcore_parallel>], iteration_bounds = array<i64: 2, 16>, scalar_prefetch = 0 : i64, scratch_operands = 11 : i64, tpu.core_type = #tpu.core_type<sc_vector_subcore>, window_params = [{transform_indices = #map}, {transform_indices = #map}, {transform_indices = #map}, {transform_indices = #map}, {transform_indices = #map}, {transform_indices = #map1}]} {
    "tpu.region"() ({
      %run_scoped3A = tpu.sem_alloc : memref<!tpu.dma_semaphore, #tpu.memory_space<semaphore_mem>>
      tpu.enqueue_dma source(%arg4 : memref<10240xi32, #tpu.memory_space<hbm>>) target(%arg8 : memref<10240xi32, #tpu.memory_space<vmem>>) target_semaphore(%run_scoped3A : memref<!tpu.dma_semaphore, #tpu.memory_space<semaphore_mem>>)
      tpu.wait_dma2 semaphore(%run_scoped3A : memref<!tpu.dma_semaphore, #tpu.memory_space<semaphore_mem>>) src(%arg4 : memref<10240xi32, #tpu.memory_space<hbm>>) dst(%arg8 : memref<10240xi32, #tpu.memory_space<vmem>>)
      tpu.yield
    }) : () -> ()
    "tpu.region"() ({
      %run_scoped3A = tpu.sem_alloc : memref<!tpu.dma_semaphore, #tpu.memory_space<semaphore_mem>>
      tpu.enqueue_dma source(%arg5 : memref<10240xf32, #tpu.memory_space<hbm>>) target(%arg9 : memref<10240xf32, #tpu.memory_space<vmem>>) target_semaphore(%run_scoped3A : memref<!tpu.dma_semaphore, #tpu.memory_space<semaphore_mem>>)
      tpu.wait_dma2 semaphore(%run_scoped3A : memref<!tpu.dma_semaphore, #tpu.memory_space<semaphore_mem>>) src(%arg5 : memref<10240xf32, #tpu.memory_space<hbm>>) dst(%arg9 : memref<10240xf32, #tpu.memory_space<vmem>>)
      tpu.yield
    }) : () -> ()
    %mul3A = arith.constant 20480 : i32
    %mul3A_0 = arith.muli %arg1, %mul3A : i32
    "tpu.region"() ({
      %run_scoped3A = tpu.sem_alloc : memref<!tpu.dma_semaphore, #tpu.memory_space<semaphore_mem>>
      %dma_start3A = tpu.memref_slice %arg18[%mul3A_0] : memref<327680xf32, #tpu.memory_space<vmem_shared>> -> memref<20480xf32, #tpu.memory_space<vmem_shared>>
      %dma_start3A_29 = arith.constant 0 : i32
      %dma_start3A_30 = tpu.memref_slice %arg6[%dma_start3A_29] : memref<20480xf32, #tpu.memory_space<hbm>> -> memref<20480xf32, #tpu.memory_space<hbm>>
      tpu.enqueue_dma source(%dma_start3A_30 : memref<20480xf32, #tpu.memory_space<hbm>>) target(%dma_start3A : memref<20480xf32, #tpu.memory_space<vmem_shared>>) target_semaphore(%run_scoped3A : memref<!tpu.dma_semaphore, #tpu.memory_space<semaphore_mem>>)
      %dma_wait3A = tpu.memref_slice %arg18[%mul3A_0] : memref<327680xf32, #tpu.memory_space<vmem_shared>> -> memref<20480xf32, #tpu.memory_space<vmem_shared>>
      %dma_wait3A_31 = arith.constant 0 : i32
      %dma_wait3A_32 = tpu.memref_slice %arg6[%dma_wait3A_31] : memref<20480xf32, #tpu.memory_space<hbm>> -> memref<20480xf32, #tpu.memory_space<hbm>>
      tpu.wait_dma2 semaphore(%run_scoped3A : memref<!tpu.dma_semaphore, #tpu.memory_space<semaphore_mem>>) src(%dma_wait3A_32 : memref<20480xf32, #tpu.memory_space<hbm>>) dst(%dma_wait3A : memref<20480xf32, #tpu.memory_space<vmem_shared>>)
      tpu.yield
    }) : () -> ()
    %barrier3A = arith.constant 0 : index
    tpu.barrier barrier_id(%barrier3A)
    %mul3A_1 = arith.constant 16 : i32
    %mul3A_2 = arith.muli %arg0, %mul3A_1 : i32
    %add3A = arith.addi %mul3A_2, %arg1 : i32
    %mul3A_3 = arith.constant 10000 : i32
    %mul3A_4 = arith.muli %add3A, %mul3A_3 : i32
    %scan3A = arith.constant 0 : i32
    %scan3A_5 = arith.constant 0 : i32
    %scan3A_6 = arith.constant 78 : i32
    %scan3A_7 = arith.addi %scan3A_5, %scan3A_6 : i32
    %scan3A_8 = arith.constant 1 : i32
    %scan3A_9 = scf.for %scan3A_29 = %scan3A_5 to %scan3A_7 step %scan3A_8 iter_args(%scan3A_30 = %scan3A) -> (i32)  : i32 {
      %mul3A_31 = arith.constant 128 : i32
      %mul3A_32 = arith.muli %scan3A_29, %mul3A_31 : i32
      %add3A_33 = arith.addi %mul3A_4, %mul3A_32 : i32
      "tpu.region"() ({
        %run_scoped3A = tpu.sem_alloc : memref<!tpu.dma_semaphore, #tpu.memory_space<semaphore_mem>>
        %dma_start3A = tpu.memref_slice %arg2[%add3A_33] : memref<320000xi32, #tpu.memory_space<hbm>> -> memref<128xi32, #tpu.memory_space<hbm>>
        %dma_start3A_147 = tpu.memref_slice %arg2[%add3A_33] : memref<320000xi32, #tpu.memory_space<hbm>> -> memref<128xi32, #tpu.memory_space<hbm>>
        tpu.enqueue_dma source(%dma_start3A_147 : memref<128xi32, #tpu.memory_space<hbm>>) target(%arg10 : memref<128xi32, #tpu.memory_space<vmem>>) target_semaphore(%run_scoped3A : memref<!tpu.dma_semaphore, #tpu.memory_space<semaphore_mem>>)
        %dma_wait3A = tpu.memref_slice %arg2[%add3A_33] : memref<320000xi32, #tpu.memory_space<hbm>> -> memref<128xi32, #tpu.memory_space<hbm>>
        %dma_wait3A_148 = tpu.memref_slice %arg2[%add3A_33] : memref<320000xi32, #tpu.memory_space<hbm>> -> memref<128xi32, #tpu.memory_space<hbm>>
        tpu.wait_dma2 semaphore(%run_scoped3A : memref<!tpu.dma_semaphore, #tpu.memory_space<semaphore_mem>>) src(%dma_wait3A_148 : memref<128xi32, #tpu.memory_space<hbm>>) dst(%arg10 : memref<128xi32, #tpu.memory_space<vmem>>)
        tpu.yield
      }) : () -> ()
      "tpu.region"() ({
        %run_scoped3A = tpu.sem_alloc : memref<!tpu.dma_semaphore, #tpu.memory_space<semaphore_mem>>
        %dma_start3A = tpu.memref_slice %arg3[%add3A_33] : memref<320000xi32, #tpu.memory_space<hbm>> -> memref<128xi32, #tpu.memory_space<hbm>>
        %dma_start3A_147 = tpu.memref_slice %arg3[%add3A_33] : memref<320000xi32, #tpu.memory_space<hbm>> -> memref<128xi32, #tpu.memory_space<hbm>>
        tpu.enqueue_dma source(%dma_start3A_147 : memref<128xi32, #tpu.memory_space<hbm>>) target(%arg11 : memref<128xi32, #tpu.memory_space<vmem>>) target_semaphore(%run_scoped3A : memref<!tpu.dma_semaphore, #tpu.memory_space<semaphore_mem>>)
        %dma_wait3A = tpu.memref_slice %arg3[%add3A_33] : memref<320000xi32, #tpu.memory_space<hbm>> -> memref<128xi32, #tpu.memory_space<hbm>>
        %dma_wait3A_148 = tpu.memref_slice %arg3[%add3A_33] : memref<320000xi32, #tpu.memory_space<hbm>> -> memref<128xi32, #tpu.memory_space<hbm>>
        tpu.wait_dma2 semaphore(%run_scoped3A : memref<!tpu.dma_semaphore, #tpu.memory_space<semaphore_mem>>) src(%dma_wait3A_148 : memref<128xi32, #tpu.memory_space<hbm>>) dst(%arg11 : memref<128xi32, #tpu.memory_space<vmem>>)
        tpu.yield
      }) : () -> ()
      %get3A_34 = arith.constant 0 : index
      %get3A_35 = tpu.vector_load %arg10[%get3A_34] {strides = array<i32>} : memref<128xi32, #tpu.memory_space<vmem>>, vector<16xi32>,
      %get3A_36 = arith.constant 0 : index
      %get3A_37 = tpu.vector_load %arg11[%get3A_36] {strides = array<i32>} : memref<128xi32, #tpu.memory_space<vmem>>, vector<16xi32>,
      %gather3A_38 = tpu.vector_load_idx %arg8[%get3A_35] : memref<10240xi32, #tpu.memory_space<vmem>>[vector<16xi32>], vector<16xi32>,
      %gather3A_39 = tpu.vector_load_idx %arg9[%get3A_35] : memref<10240xf32, #tpu.memory_space<vmem>>[vector<16xi32>], vector<16xf32>,
      %mul3A_40 = arith.constant 32 : i32
      %mul3A_41 = vector.broadcast %mul3A_40 : i32 to vector<16xi32>
      %mul3A_42 = arith.muli %get3A_37, %mul3A_41 : vector<16xi32>
      %add3A_43 = arith.addi %mul3A_42, %gather3A_38 : vector<16xi32>
      %swap3A_44 = arith.constant 0 : index
      %swap3A_45 = tpu.vector_load %arg12[%swap3A_44] {strides = array<i32>} : memref<128xi32, #tpu.memory_space<vmem>>, vector<16xi32>,
      tpu.vector_store %arg12[%swap3A_44], %add3A_43 {strides = array<i32>} : memref<128xi32, #tpu.memory_space<vmem>>, vector<16xi32>,
      %swap3A_46 = arith.constant 0 : index
      %swap3A_47 = tpu.vector_load %arg13[%swap3A_46] {strides = array<i32>} : memref<128xf32, #tpu.memory_space<vmem>>, vector<16xf32>,
      tpu.vector_store %arg13[%swap3A_46], %gather3A_39 {strides = array<i32>} : memref<128xf32, #tpu.memory_space<vmem>>, vector<16xf32>,
      %get3A_48 = arith.constant 16 : index
      %get3A_49 = tpu.vector_load %arg10[%get3A_48] {strides = array<i32>} : memref<128xi32, #tpu.memory_space<vmem>>, vector<16xi32>,
      %get3A_50 = arith.constant 16 : index
      %get3A_51 = tpu.vector_load %arg11[%get3A_50] {strides = array<i32>} : memref<128xi32, #tpu.memory_space<vmem>>, vector<16xi32>,
      %gather3A_52 = tpu.vector_load_idx %arg8[%get3A_49] : memref<10240xi32, #tpu.memory_space<vmem>>[vector<16xi32>], vector<16xi32>,
      %gather3A_53 = tpu.vector_load_idx %arg9[%get3A_49] : memref<10240xf32, #tpu.memory_space<vmem>>[vector<16xi32>], vector<16xf32>,
      %mul3A_54 = arith.constant 32 : i32
      %mul3A_55 = vector.broadcast %mul3A_54 : i32 to vector<16xi32>
      %mul3A_56 = arith.muli %get3A_51, %mul3A_55 : vector<16xi32>
      %add3A_57 = arith.addi %mul3A_56, %gather3A_52 : vector<16xi32>
      %swap3A_58 = arith.constant 16 : index
      %swap3A_59 = tpu.vector_load %arg12[%swap3A_58] {strides = array<i32>} : memref<128xi32, #tpu.memory_space<vmem>>, vector<16xi32>,
      tpu.vector_store %arg12[%swap3A_58], %add3A_57 {strides = array<i32>} : memref<128xi32, #tpu.memory_space<vmem>>, vector<16xi32>,
      %swap3A_60 = arith.constant 16 : index
      %swap3A_61 = tpu.vector_load %arg13[%swap3A_60] {strides = array<i32>} : memref<128xf32, #tpu.memory_space<vmem>>, vector<16xf32>,
      tpu.vector_store %arg13[%swap3A_60], %gather3A_53 {strides = array<i32>} : memref<128xf32, #tpu.memory_space<vmem>>, vector<16xf32>,
      %get3A_62 = arith.constant 32 : index
      %get3A_63 = tpu.vector_load %arg10[%get3A_62] {strides = array<i32>} : memref<128xi32, #tpu.memory_space<vmem>>, vector<16xi32>,
      %get3A_64 = arith.constant 32 : index
      %get3A_65 = tpu.vector_load %arg11[%get3A_64] {strides = array<i32>} : memref<128xi32, #tpu.memory_space<vmem>>, vector<16xi32>,
      %gather3A_66 = tpu.vector_load_idx %arg8[%get3A_63] : memref<10240xi32, #tpu.memory_space<vmem>>[vector<16xi32>], vector<16xi32>,
      %gather3A_67 = tpu.vector_load_idx %arg9[%get3A_63] : memref<10240xf32, #tpu.memory_space<vmem>>[vector<16xi32>], vector<16xf32>,
      %mul3A_68 = arith.constant 32 : i32
      %mul3A_69 = vector.broadcast %mul3A_68 : i32 to vector<16xi32>
      %mul3A_70 = arith.muli %get3A_65, %mul3A_69 : vector<16xi32>
      %add3A_71 = arith.addi %mul3A_70, %gather3A_66 : vector<16xi32>
      %swap3A_72 = arith.constant 32 : index
      %swap3A_73 = tpu.vector_load %arg12[%swap3A_72] {strides = array<i32>} : memref<128xi32, #tpu.memory_space<vmem>>, vector<16xi32>,
      tpu.vector_store %arg12[%swap3A_72], %add3A_71 {strides = array<i32>} : memref<128xi32, #tpu.memory_space<vmem>>, vector<16xi32>,
      %swap3A_74 = arith.constant 32 : index
      %swap3A_75 = tpu.vector_load %arg13[%swap3A_74] {strides = array<i32>} : memref<128xf32, #tpu.memory_space<vmem>>, vector<16xf32>,
      tpu.vector_store %arg13[%swap3A_74], %gather3A_67 {strides = array<i32>} : memref<128xf32, #tpu.memory_space<vmem>>, vector<16xf32>,
      %get3A_76 = arith.constant 48 : index
      %get3A_77 = tpu.vector_load %arg10[%get3A_76] {strides = array<i32>} : memref<128xi32, #tpu.memory_space<vmem>>, vector<16xi32>,
      %get3A_78 = arith.constant 48 : index
      %get3A_79 = tpu.vector_load %arg11[%get3A_78] {strides = array<i32>} : memref<128xi32, #tpu.memory_space<vmem>>, vector<16xi32>,
      %gather3A_80 = tpu.vector_load_idx %arg8[%get3A_77] : memref<10240xi32, #tpu.memory_space<vmem>>[vector<16xi32>], vector<16xi32>,
      %gather3A_81 = tpu.vector_load_idx %arg9[%get3A_77] : memref<10240xf32, #tpu.memory_space<vmem>>[vector<16xi32>], vector<16xf32>,
      %mul3A_82 = arith.constant 32 : i32
      %mul3A_83 = vector.broadcast %mul3A_82 : i32 to vector<16xi32>
      %mul3A_84 = arith.muli %get3A_79, %mul3A_83 : vector<16xi32>
      %add3A_85 = arith.addi %mul3A_84, %gather3A_80 : vector<16xi32>
      %swap3A_86 = arith.constant 48 : index
      %swap3A_87 = tpu.vector_load %arg12[%swap3A_86] {strides = array<i32>} : memref<128xi32, #tpu.memory_space<vmem>>, vector<16xi32>,
      tpu.vector_store %arg12[%swap3A_86], %add3A_85 {strides = array<i32>} : memref<128xi32, #tpu.memory_space<vmem>>, vector<16xi32>,
      %swap3A_88 = arith.constant 48 : index
      %swap3A_89 = tpu.vector_load %arg13[%swap3A_88] {strides = array<i32>} : memref<128xf32, #tpu.memory_space<vmem>>, vector<16xf32>,
      tpu.vector_store %arg13[%swap3A_88], %gather3A_81 {strides = array<i32>} : memref<128xf32, #tpu.memory_space<vmem>>, vector<16xf32>,
      %get3A_90 = arith.constant 64 : index
      %get3A_91 = tpu.vector_load %arg10[%get3A_90] {strides = array<i32>} : memref<128xi32, #tpu.memory_space<vmem>>, vector<16xi32>,
      %get3A_92 = arith.constant 64 : index
      %get3A_93 = tpu.vector_load %arg11[%get3A_92] {strides = array<i32>} : memref<128xi32, #tpu.memory_space<vmem>>, vector<16xi32>,
      %gather3A_94 = tpu.vector_load_idx %arg8[%get3A_91] : memref<10240xi32, #tpu.memory_space<vmem>>[vector<16xi32>], vector<16xi32>,
      %gather3A_95 = tpu.vector_load_idx %arg9[%get3A_91] : memref<10240xf32, #tpu.memory_space<vmem>>[vector<16xi32>], vector<16xf32>,
      %mul3A_96 = arith.constant 32 : i32
      %mul3A_97 = vector.broadcast %mul3A_96 : i32 to vector<16xi32>
      %mul3A_98 = arith.muli %get3A_93, %mul3A_97 : vector<16xi32>
      %add3A_99 = arith.addi %mul3A_98, %gather3A_94 : vector<16xi32>
      %swap3A_100 = arith.constant 64 : index
      %swap3A_101 = tpu.vector_load %arg12[%swap3A_100] {strides = array<i32>} : memref<128xi32, #tpu.memory_space<vmem>>, vector<16xi32>,
      tpu.vector_store %arg12[%swap3A_100], %add3A_99 {strides = array<i32>} : memref<128xi32, #tpu.memory_space<vmem>>, vector<16xi32>,
      %swap3A_102 = arith.constant 64 : index
      %swap3A_103 = tpu.vector_load %arg13[%swap3A_102] {strides = array<i32>} : memref<128xf32, #tpu.memory_space<vmem>>, vector<16xf32>,
      tpu.vector_store %arg13[%swap3A_102], %gather3A_95 {strides = array<i32>} : memref<128xf32, #tpu.memory_space<vmem>>, vector<16xf32>,
      %get3A_104 = arith.constant 80 : index
      %get3A_105 = tpu.vector_load %arg10[%get3A_104] {strides = array<i32>} : memref<128xi32, #tpu.memory_space<vmem>>, vector<16xi32>,
      %get3A_106 = arith.constant 80 : index
      %get3A_107 = tpu.vector_load %arg11[%get3A_106] {strides = array<i32>} : memref<128xi32, #tpu.memory_space<vmem>>, vector<16xi32>,
      %gather3A_108 = tpu.vector_load_idx %arg8[%get3A_105] : memref<10240xi32, #tpu.memory_space<vmem>>[vector<16xi32>], vector<16xi32>,
      %gather3A_109 = tpu.vector_load_idx %arg9[%get3A_105] : memref<10240xf32, #tpu.memory_space<vmem>>[vector<16xi32>], vector<16xf32>,
      %mul3A_110 = arith.constant 32 : i32
      %mul3A_111 = vector.broadcast %mul3A_110 : i32 to vector<16xi32>
      %mul3A_112 = arith.muli %get3A_107, %mul3A_111 : vector<16xi32>
      %add3A_113 = arith.addi %mul3A_112, %gather3A_108 : vector<16xi32>
      %swap3A_114 = arith.constant 80 : index
      %swap3A_115 = tpu.vector_load %arg12[%swap3A_114] {strides = array<i32>} : memref<128xi32, #tpu.memory_space<vmem>>, vector<16xi32>,
      tpu.vector_store %arg12[%swap3A_114], %add3A_113 {strides = array<i32>} : memref<128xi32, #tpu.memory_space<vmem>>, vector<16xi32>,
      %swap3A_116 = arith.constant 80 : index
      %swap3A_117 = tpu.vector_load %arg13[%swap3A_116] {strides = array<i32>} : memref<128xf32, #tpu.memory_space<vmem>>, vector<16xf32>,
      tpu.vector_store %arg13[%swap3A_116], %gather3A_109 {strides = array<i32>} : memref<128xf32, #tpu.memory_space<vmem>>, vector<16xf32>,
      %get3A_118 = arith.constant 96 : index
      %get3A_119 = tpu.vector_load %arg10[%get3A_118] {strides = array<i32>} : memref<128xi32, #tpu.memory_space<vmem>>, vector<16xi32>,
      %get3A_120 = arith.constant 96 : index
      %get3A_121 = tpu.vector_load %arg11[%get3A_120] {strides = array<i32>} : memref<128xi32, #tpu.memory_space<vmem>>, vector<16xi32>,
      %gather3A_122 = tpu.vector_load_idx %arg8[%get3A_119] : memref<10240xi32, #tpu.memory_space<vmem>>[vector<16xi32>], vector<16xi32>,
      %gather3A_123 = tpu.vector_load_idx %arg9[%get3A_119] : memref<10240xf32, #tpu.memory_space<vmem>>[vector<16xi32>], vector<16xf32>,
      %mul3A_124 = arith.constant 32 : i32
      %mul3A_125 = vector.broadcast %mul3A_124 : i32 to vector<16xi32>
      %mul3A_126 = arith.muli %get3A_121, %mul3A_125 : vector<16xi32>
      %add3A_127 = arith.addi %mul3A_126, %gather3A_122 : vector<16xi32>
      %swap3A_128 = arith.constant 96 : index
      %swap3A_129 = tpu.vector_load %arg12[%swap3A_128] {strides = array<i32>} : memref<128xi32, #tpu.memory_space<vmem>>, vector<16xi32>,
      tpu.vector_store %arg12[%swap3A_128], %add3A_127 {strides = array<i32>} : memref<128xi32, #tpu.memory_space<vmem>>, vector<16xi32>,
      %swap3A_130 = arith.constant 96 : index
      %swap3A_131 = tpu.vector_load %arg13[%swap3A_130] {strides = array<i32>} : memref<128xf32, #tpu.memory_space<vmem>>, vector<16xf32>,
      tpu.vector_store %arg13[%swap3A_130], %gather3A_123 {strides = array<i32>} : memref<128xf32, #tpu.memory_space<vmem>>, vector<16xf32>,
      %get3A_132 = arith.constant 112 : index
      %get3A_133 = tpu.vector_load %arg10[%get3A_132] {strides = array<i32>} : memref<128xi32, #tpu.memory_space<vmem>>, vector<16xi32>,
      %get3A_134 = arith.constant 112 : index
      %get3A_135 = tpu.vector_load %arg11[%get3A_134] {strides = array<i32>} : memref<128xi32, #tpu.memory_space<vmem>>, vector<16xi32>,
      %gather3A_136 = tpu.vector_load_idx %arg8[%get3A_133] : memref<10240xi32, #tpu.memory_space<vmem>>[vector<16xi32>], vector<16xi32>,
      %gather3A_137 = tpu.vector_load_idx %arg9[%get3A_133] : memref<10240xf32, #tpu.memory_space<vmem>>[vector<16xi32>], vector<16xf32>,
      %mul3A_138 = arith.constant 32 : i32
      %mul3A_139 = vector.broadcast %mul3A_138 : i32 to vector<16xi32>
      %mul3A_140 = arith.muli %get3A_135, %mul3A_139 : vector<16xi32>
      %add3A_141 = arith.addi %mul3A_140, %gather3A_136 : vector<16xi32>
      %swap3A_142 = arith.constant 112 : index
      %swap3A_143 = tpu.vector_load %arg12[%swap3A_142] {strides = array<i32>} : memref<128xi32, #tpu.memory_space<vmem>>, vector<16xi32>,
      tpu.vector_store %arg12[%swap3A_142], %add3A_141 {strides = array<i32>} : memref<128xi32, #tpu.memory_space<vmem>>, vector<16xi32>,
      %swap3A_144 = arith.constant 112 : index
      %swap3A_145 = tpu.vector_load %arg13[%swap3A_144] {strides = array<i32>} : memref<128xf32, #tpu.memory_space<vmem>>, vector<16xf32>,
      tpu.vector_store %arg13[%swap3A_144], %gather3A_137 {strides = array<i32>} : memref<128xf32, #tpu.memory_space<vmem>>, vector<16xf32>,
      "tpu.region"() ({
        %run_scoped3A = tpu.sem_alloc : memref<!tpu.dma_semaphore, #tpu.memory_space<semaphore_mem>>
        %dma_start3A = arith.constant 0 : i32
        %dma_start3A_147 = tpu.memref_slice %arg18[%dma_start3A] : memref<327680xf32, #tpu.memory_space<vmem_shared>> -> memref<327680xf32, #tpu.memory_space<vmem_shared>>
        tpu.enqueue_indirect_dma source(%arg13 : memref<128xf32, #tpu.memory_space<vmem>>) target(%dma_start3A_147 : memref<327680xf32, #tpu.memory_space<vmem_shared>>) offsets(%arg12 : memref<128xi32, #tpu.memory_space<vmem>>) semaphore(%run_scoped3A : memref<!tpu.dma_semaphore, #tpu.memory_space<semaphore_mem>>) {add = true}
        %dma_wait3A = arith.constant 0 : i32
        %dma_wait3A_148 = tpu.memref_slice %arg18[%dma_wait3A] : memref<327680xf32, #tpu.memory_space<vmem_shared>> -> memref<327680xf32, #tpu.memory_space<vmem_shared>>
        tpu.wait_indirect_dma semaphore(%run_scoped3A : memref<!tpu.dma_semaphore, #tpu.memory_space<semaphore_mem>>) src(%arg13 : memref<128xf32, #tpu.memory_space<vmem>>) dst(%dma_wait3A_148 : memref<327680xf32, #tpu.memory_space<vmem_shared>>)
        tpu.yield
      }) : () -> ()
      %scan3A_146 = arith.constant 0 : i32
      scf.yield %scan3A_146 : i32
    }
    %scan3A_10 = arith.constant 78 : i32
    %add3A_11 = arith.constant 9984 : i32
    %add3A_12 = arith.addi %mul3A_4, %add3A_11 : i32
    "tpu.region"() ({
      %run_scoped3A = tpu.sem_alloc : memref<!tpu.dma_semaphore, #tpu.memory_space<semaphore_mem>>
      %dma_start3A = tpu.memref_slice %arg2[%add3A_12] : memref<320000xi32, #tpu.memory_space<hbm>> -> memref<16xi32, #tpu.memory_space<hbm>>
      %dma_start3A_29 = tpu.memref_slice %arg2[%add3A_12] : memref<320000xi32, #tpu.memory_space<hbm>> -> memref<16xi32, #tpu.memory_space<hbm>>
      tpu.enqueue_dma source(%dma_start3A_29 : memref<16xi32, #tpu.memory_space<hbm>>) target(%arg14 : memref<16xi32, #tpu.memory_space<vmem>>) target_semaphore(%run_scoped3A : memref<!tpu.dma_semaphore, #tpu.memory_space<semaphore_mem>>)
      %dma_wait3A = tpu.memref_slice %arg2[%add3A_12] : memref<320000xi32, #tpu.memory_space<hbm>> -> memref<16xi32, #tpu.memory_space<hbm>>
      %dma_wait3A_30 = tpu.memref_slice %arg2[%add3A_12] : memref<320000xi32, #tpu.memory_space<hbm>> -> memref<16xi32, #tpu.memory_space<hbm>>
      tpu.wait_dma2 semaphore(%run_scoped3A : memref<!tpu.dma_semaphore, #tpu.memory_space<semaphore_mem>>) src(%dma_wait3A_30 : memref<16xi32, #tpu.memory_space<hbm>>) dst(%arg14 : memref<16xi32, #tpu.memory_space<vmem>>)
      tpu.yield
    }) : () -> ()
    "tpu.region"() ({
      %run_scoped3A = tpu.sem_alloc : memref<!tpu.dma_semaphore, #tpu.memory_space<semaphore_mem>>
      %dma_start3A = tpu.memref_slice %arg3[%add3A_12] : memref<320000xi32, #tpu.memory_space<hbm>> -> memref<16xi32, #tpu.memory_space<hbm>>
      %dma_start3A_29 = tpu.memref_slice %arg3[%add3A_12] : memref<320000xi32, #tpu.memory_space<hbm>> -> memref<16xi32, #tpu.memory_space<hbm>>
      tpu.enqueue_dma source(%dma_start3A_29 : memref<16xi32, #tpu.memory_space<hbm>>) target(%arg15 : memref<16xi32, #tpu.memory_space<vmem>>) target_semaphore(%run_scoped3A : memref<!tpu.dma_semaphore, #tpu.memory_space<semaphore_mem>>)
      %dma_wait3A = tpu.memref_slice %arg3[%add3A_12] : memref<320000xi32, #tpu.memory_space<hbm>> -> memref<16xi32, #tpu.memory_space<hbm>>
      %dma_wait3A_30 = tpu.memref_slice %arg3[%add3A_12] : memref<320000xi32, #tpu.memory_space<hbm>> -> memref<16xi32, #tpu.memory_space<hbm>>
      tpu.wait_dma2 semaphore(%run_scoped3A : memref<!tpu.dma_semaphore, #tpu.memory_space<semaphore_mem>>) src(%dma_wait3A_30 : memref<16xi32, #tpu.memory_space<hbm>>) dst(%arg15 : memref<16xi32, #tpu.memory_space<vmem>>)
      tpu.yield
    }) : () -> ()
    %get3A = arith.constant 0 : index
    %get3A_13 = tpu.vector_load %arg14[%get3A] {strides = array<i32>} : memref<16xi32, #tpu.memory_space<vmem>>, vector<16xi32>,
    %get3A_14 = arith.constant 0 : index
    %get3A_15 = tpu.vector_load %arg15[%get3A_14] {strides = array<i32>} : memref<16xi32, #tpu.memory_space<vmem>>, vector<16xi32>,
    %gather3A = tpu.vector_load_idx %arg8[%get3A_13] : memref<10240xi32, #tpu.memory_space<vmem>>[vector<16xi32>], vector<16xi32>,
    %gather3A_16 = tpu.vector_load_idx %arg9[%get3A_13] : memref<10240xf32, #tpu.memory_space<vmem>>[vector<16xi32>], vector<16xf32>,
    %mul3A_17 = arith.constant 32 : i32
    %mul3A_18 = vector.broadcast %mul3A_17 : i32 to vector<16xi32>
    %mul3A_19 = arith.muli %get3A_15, %mul3A_18 : vector<16xi32>
    %add3A_20 = arith.addi %mul3A_19, %gather3A : vector<16xi32>
    %swap3A = arith.constant 0 : index
    %swap3A_21 = tpu.vector_load %arg16[%swap3A] {strides = array<i32>} : memref<16xi32, #tpu.memory_space<vmem>>, vector<16xi32>,
    tpu.vector_store %arg16[%swap3A], %add3A_20 {strides = array<i32>} : memref<16xi32, #tpu.memory_space<vmem>>, vector<16xi32>,
    %swap3A_22 = arith.constant 0 : index
    %swap3A_23 = tpu.vector_load %arg17[%swap3A_22] {strides = array<i32>} : memref<16xf32, #tpu.memory_space<vmem>>, vector<16xf32>,
    tpu.vector_store %arg17[%swap3A_22], %gather3A_16 {strides = array<i32>} : memref<16xf32, #tpu.memory_space<vmem>>, vector<16xf32>,
    "tpu.region"() ({
      %run_scoped3A = tpu.sem_alloc : memref<!tpu.dma_semaphore, #tpu.memory_space<semaphore_mem>>
      %dma_start3A = arith.constant 0 : i32
      %dma_start3A_29 = tpu.memref_slice %arg18[%dma_start3A] : memref<327680xf32, #tpu.memory_space<vmem_shared>> -> memref<327680xf32, #tpu.memory_space<vmem_shared>>
      tpu.enqueue_indirect_dma source(%arg17 : memref<16xf32, #tpu.memory_space<vmem>>) target(%dma_start3A_29 : memref<327680xf32, #tpu.memory_space<vmem_shared>>) offsets(%arg16 : memref<16xi32, #tpu.memory_space<vmem>>) semaphore(%run_scoped3A : memref<!tpu.dma_semaphore, #tpu.memory_space<semaphore_mem>>) {add = true}
      %dma_wait3A = arith.constant 0 : i32
      %dma_wait3A_30 = tpu.memref_slice %arg18[%dma_wait3A] : memref<327680xf32, #tpu.memory_space<vmem_shared>> -> memref<327680xf32, #tpu.memory_space<vmem_shared>>
      tpu.wait_indirect_dma semaphore(%run_scoped3A : memref<!tpu.dma_semaphore, #tpu.memory_space<semaphore_mem>>) src(%arg17 : memref<16xf32, #tpu.memory_space<vmem>>) dst(%dma_wait3A_30 : memref<327680xf32, #tpu.memory_space<vmem_shared>>)
      tpu.yield
    }) : () -> ()
    %barrier3A_24 = arith.constant 0 : index
    tpu.barrier barrier_id(%barrier3A_24)
    %mul3A_25 = arith.constant 20480 : i32
    %mul3A_26 = arith.muli %arg1, %mul3A_25 : i32
    %mul3A_27 = arith.constant 20480 : i32
    %mul3A_28 = arith.muli %arg1, %mul3A_27 : i32
    "tpu.region"() ({
      %run_scoped3A = tpu.sem_alloc : memref<!tpu.dma_semaphore, #tpu.memory_space<semaphore_mem>>
      %dma_start3A = tpu.memref_slice %arg7[%arg0, %mul3A_28] : memref<2x327680xf32, #tpu.memory_space<hbm>> -> memref<1x20480xf32, #tpu.memory_space<hbm>>
      %dma_start3A_29 = tpu.memref_squeeze %dma_start3A : memref<1x20480xf32, #tpu.memory_space<hbm>> -> memref<20480xf32, #tpu.memory_space<hbm>>
      %dma_start3A_30 = tpu.memref_slice %arg18[%mul3A_26] : memref<327680xf32, #tpu.memory_space<vmem_shared>> -> memref<20480xf32, #tpu.memory_space<vmem_shared>>
      tpu.enqueue_dma source(%dma_start3A_30 : memref<20480xf32, #tpu.memory_space<vmem_shared>>) target(%dma_start3A_29 : memref<20480xf32, #tpu.memory_space<hbm>>) target_semaphore(%run_scoped3A : memref<!tpu.dma_semaphore, #tpu.memory_space<semaphore_mem>>)
      %dma_wait3A = tpu.memref_slice %arg7[%arg0, %mul3A_28] : memref<2x327680xf32, #tpu.memory_space<hbm>> -> memref<1x20480xf32, #tpu.memory_space<hbm>>
      %dma_wait3A_31 = tpu.memref_squeeze %dma_wait3A : memref<1x20480xf32, #tpu.memory_space<hbm>> -> memref<20480xf32, #tpu.memory_space<hbm>>
      %dma_wait3A_32 = tpu.memref_slice %arg18[%mul3A_26] : memref<327680xf32, #tpu.memory_space<vmem_shared>> -> memref<20480xf32, #tpu.memory_space<vmem_shared>>
      tpu.wait_dma2 semaphore(%run_scoped3A : memref<!tpu.dma_semaphore, #tpu.memory_space<semaphore_mem>>) src(%dma_wait3A_32 : memref<20480xf32, #tpu.memory_space<vmem_shared>>) dst(%dma_wait3A_31 : memref<20480xf32, #tpu.memory_space<hbm>>)
      tpu.yield
    }) : () -> ()
    return
  }
}

module attributes {stable_mosaic.version = 14 : i64} {
  func.func @_tc_prep_body(%arg0: memref<2x80x128xf32, #tpu.memory_space<vmem>>, %arg1: memref<32x128xf32, #tpu.memory_space<vmem>>, %arg2: memref<128x128xf32, #tpu.memory_space<vmem>>, %arg3: memref<80x128xf32, #tpu.memory_space<vmem>>, %arg4: memref<32x128xf32, #tpu.memory_space<vmem>>) attributes {dimension_semantics = [], scalar_prefetch = 0 : i64, scratch_operands = 0 : i64, tpu.core_type = #tpu.core_type<tc>} {
    %get3A = arith.constant 0 : index
    %get3A_0 = arith.constant 0 : index
    %get3A_1 = arith.constant 0 : index
    %get3A_2 = vector.load %arg0[%get3A, %get3A_0, %get3A_1] : memref<2x80x128xf32, #tpu.memory_space<vmem>>, vector<1x80x128xf32>
    %get3A_3 = vector.shape_cast %get3A_2 : vector<1x80x128xf32> to vector<80x128xf32>
    %get3A_4 = arith.constant 1 : index
    %get3A_5 = arith.constant 0 : index
    %get3A_6 = arith.constant 0 : index
    %get3A_7 = vector.load %arg0[%get3A_4, %get3A_5, %get3A_6] : memref<2x80x128xf32, #tpu.memory_space<vmem>>, vector<1x80x128xf32>
    %get3A_8 = vector.shape_cast %get3A_7 : vector<1x80x128xf32> to vector<80x128xf32>
    %add3A = arith.addf %get3A_3, %get3A_8 : vector<80x128xf32>
    %add3A_9 = arith.constant 1.000000e+00 : f32
    %add3A_10 = vector.broadcast %add3A_9 : f32 to vector<80x128xf32>
    %add3A_11 = arith.addf %add3A, %add3A_10 : vector<80x128xf32>
    %rsqrt3A = math.rsqrt %add3A_11 : vector<80x128xf32>
    %swap3A = arith.constant 0 : index
    %swap3A_12 = arith.constant 0 : index
    %swap3A_13 = vector.load %arg3[%swap3A, %swap3A_12] : memref<80x128xf32, #tpu.memory_space<vmem>>, vector<80x128xf32>
    tpu.vector_store %arg3[%swap3A, %swap3A_12], %rsqrt3A {strides = array<i32>} : memref<80x128xf32, #tpu.memory_space<vmem>>, vector<80x128xf32>,
    %get3A_14 = arith.constant 0 : index
    %get3A_15 = arith.constant 0 : index
    %get3A_16 = vector.load %arg1[%get3A_14, %get3A_15] : memref<32x128xf32, #tpu.memory_space<vmem>>, vector<32x128xf32>
    %get3A_17 = arith.constant 0 : index
    %get3A_18 = arith.constant 0 : index
    %get3A_19 = vector.load %arg2[%get3A_17, %get3A_18] : memref<128x128xf32, #tpu.memory_space<vmem>>, vector<128x128xf32>
    %dot_general3A = arith.constant dense<0.000000e+00> : vector<32x128xf32>
    %dot_general3A_20 = tpu.matmul %get3A_16, %get3A_19, %dot_general3A {dimension_numbers = #tpu.dot_dimension_numbers<[1], [0], [0], [1], [0, 0, 1, 1], [], []>, transpose_lhs_hint = false} : vector<32x128xf32>, vector<128x128xf32>, vector<32x128xf32> -> vector<32x128xf32>
    %swap3A_21 = arith.constant 0 : index
    %swap3A_22 = arith.constant 0 : index
    %swap3A_23 = vector.load %arg4[%swap3A_21, %swap3A_22] : memref<32x128xf32, #tpu.memory_space<vmem>>, vector<32x128xf32>
    tpu.vector_store %arg4[%swap3A_21, %swap3A_22], %dot_general3A_20 {strides = array<i32>} : memref<32x128xf32, #tpu.memory_space<vmem>>, vector<32x128xf32>,
    return
  }
}

module attributes {stable_mosaic.version = 14 : i64} {
  func.func @_tc_l1_body(%arg0: i32, %arg1: memref<2x512x32xf32, #tpu.memory_space<vmem>>, %arg2: memref<512x1xi32, #tpu.memory_space<vmem>>, %arg3: memref<512x1xf32, #tpu.memory_space<vmem>>, %arg4: memref<32x128xf32, #tpu.memory_space<vmem>>, %arg5: memref<1x128xf32, #tpu.memory_space<vmem>>, %arg6: memref<512x128xf32, #tpu.memory_space<vmem>>) attributes {dimension_semantics = [#tpu.dimension_semantics<arbitrary>], iteration_bounds = array<i64: 20>, scalar_prefetch = 0 : i64, scratch_operands = 0 : i64, tpu.core_type = #tpu.core_type<tc>, window_params = [{transform_indices = @transform_0, window_bounds = array<i64: 2, 512, 32>}, {transform_indices = @transform_1, window_bounds = array<i64: 512, 1>}, {transform_indices = @transform_2, window_bounds = array<i64: 512, 1>}, {pipeline_mode = #tpu.pipeline_mode<synchronous>, transform_indices = @transform_3, window_bounds = array<i64: 32, 128>}, {pipeline_mode = #tpu.pipeline_mode<synchronous>, transform_indices = @transform_4, window_bounds = array<i64: 1, 128>}, {transform_indices = @transform_5, window_bounds = array<i64: 512, 128>}]} {
    %get3A = arith.constant 0 : index
    %get3A_0 = arith.constant 0 : index
    %get3A_1 = arith.constant 0 : index
    %get3A_2 = vector.load %arg1[%get3A, %get3A_0, %get3A_1] : memref<2x512x32xf32, #tpu.memory_space<vmem>>, vector<1x512x32xf32>
    %get3A_3 = vector.shape_cast %get3A_2 : vector<1x512x32xf32> to vector<512x32xf32>
    %get3A_4 = arith.constant 1 : index
    %get3A_5 = arith.constant 0 : index
    %get3A_6 = arith.constant 0 : index
    %get3A_7 = vector.load %arg1[%get3A_4, %get3A_5, %get3A_6] : memref<2x512x32xf32, #tpu.memory_space<vmem>>, vector<1x512x32xf32>
    %get3A_8 = vector.shape_cast %get3A_7 : vector<1x512x32xf32> to vector<512x32xf32>
    %add3A = arith.addf %get3A_3, %get3A_8 : vector<512x32xf32>
    %get3A_9 = arith.constant 0 : index
    %get3A_10 = arith.constant 0 : index
    %get3A_11 = vector.load %arg3[%get3A_9, %get3A_10] : memref<512x1xf32, #tpu.memory_space<vmem>>, vector<512x1xf32>
    %get3A_12 = arith.constant 0 : index
    %get3A_13 = arith.constant 0 : index
    %get3A_14 = vector.load %arg2[%get3A_12, %get3A_13] : memref<512x1xi32, #tpu.memory_space<vmem>>, vector<512x1xi32>
    %iota3A = tpu.iota {dimensions = array<i32: 1>} : vector<512x32xi32>
    %eq3A = vector.broadcast %get3A_14 : vector<512x1xi32> to vector<512x32xi32>
    %eq3A_15 = arith.cmpi eq, %eq3A, %iota3A : vector<512x32xi32>
    %jit3A = arith.constant 0.000000e+00 : f32
    %broadcast_in_dim3A = vector.shape_cast %get3A_11 : vector<512x1xf32> to vector<512x1xf32>
    %broadcast_in_dim3A_16 = vector.broadcast %broadcast_in_dim3A : vector<512x1xf32> to vector<512x32xf32>
    %broadcast_in_dim3A_17 = vector.broadcast %jit3A : f32 to vector<512x32xf32>
    %select_n3A = arith.select %eq3A_15, %broadcast_in_dim3A_16, %broadcast_in_dim3A_17 : vector<512x32xi1>, vector<512x32xf32>
    %add3A_18 = arith.addf %add3A, %select_n3A : vector<512x32xf32>
    %get3A_19 = arith.constant 0 : index
    %get3A_20 = arith.constant 0 : index
    %get3A_21 = vector.load %arg4[%get3A_19, %get3A_20] : memref<32x128xf32, #tpu.memory_space<vmem>>, vector<32x128xf32>
    %dot_general3A = arith.constant dense<0.000000e+00> : vector<512x128xf32>
    %dot_general3A_22 = tpu.matmul %add3A_18, %get3A_21, %dot_general3A {dimension_numbers = #tpu.dot_dimension_numbers<[1], [0], [0], [1], [0, 0, 1, 1], [], []>, transpose_lhs_hint = false} : vector<512x32xf32>, vector<32x128xf32>, vector<512x128xf32> -> vector<512x128xf32>
    %mul3A = vector.broadcast %get3A_11 : vector<512x1xf32> to vector<512x128xf32>
    %mul3A_23 = arith.mulf %mul3A, %dot_general3A_22 : vector<512x128xf32>
    %get3A_24 = arith.constant 0 : index
    %get3A_25 = arith.constant 0 : index
    %get3A_26 = vector.load %arg5[%get3A_24, %get3A_25] : memref<1x128xf32, #tpu.memory_space<vmem>>, vector<1x128xf32>
    %add3A_27 = vector.broadcast %get3A_26 : vector<1x128xf32> to vector<512x128xf32>
    %add3A_28 = arith.addf %mul3A_23, %add3A_27 : vector<512x128xf32>
    %max3A = arith.constant 0.000000e+00 : f32
    %max3A_29 = vector.broadcast %max3A : f32 to vector<512x128xf32>
    %max3A_30 = arith.maximumf %add3A_28, %max3A_29 : vector<512x128xf32>
    %mul3A_31 = vector.broadcast %get3A_11 : vector<512x1xf32> to vector<512x128xf32>
    %mul3A_32 = arith.mulf %mul3A_31, %max3A_30 : vector<512x128xf32>
    %swap3A = arith.constant 0 : index
    %swap3A_33 = arith.constant 0 : index
    %swap3A_34 = vector.load %arg6[%swap3A, %swap3A_33] : memref<512x128xf32, #tpu.memory_space<vmem>>, vector<512x128xf32>
    tpu.vector_store %arg6[%swap3A, %swap3A_33], %mul3A_32 {strides = array<i32>} : memref<512x128xf32, #tpu.memory_space<vmem>>, vector<512x128xf32>,
    return
  }
  func.func @transform_0(%arg0: i32) -> (i32, i32, i32) {
    %c0_i32 = arith.constant 0 : i32
    %c0_i32_0 = arith.constant 0 : i32
    %c0_i32_1 = arith.constant 0 : i32
    return %c0_i32, %arg0, %c0_i32_0 : i32, i32, i32
  }
  func.func @transform_1(%arg0: i32) -> (i32, i32) {
    %c0_i32 = arith.constant 0 : i32
    %c0_i32_0 = arith.constant 0 : i32
    return %arg0, %c0_i32 : i32, i32
  }
  func.func @transform_2(%arg0: i32) -> (i32, i32) {
    %c0_i32 = arith.constant 0 : i32
    %c0_i32_0 = arith.constant 0 : i32
    return %arg0, %c0_i32 : i32, i32
  }
  func.func @transform_3(%arg0: i32) -> (i32, i32) {
    %c0_i32 = arith.constant 0 : i32
    %c0_i32_0 = arith.constant 0 : i32
    %c0_i32_1 = arith.constant 0 : i32
    return %c0_i32, %c0_i32_0 : i32, i32
  }
  func.func @transform_4(%arg0: i32) -> (i32, i32) {
    %c0_i32 = arith.constant 0 : i32
    %c0_i32_0 = arith.constant 0 : i32
    %c0_i32_1 = arith.constant 0 : i32
    return %c0_i32, %c0_i32_0 : i32, i32
  }
  func.func @transform_5(%arg0: i32) -> (i32, i32) {
    %c0_i32 = arith.constant 0 : i32
    %c0_i32_0 = arith.constant 0 : i32
    return %arg0, %c0_i32 : i32, i32
  }
}

module attributes {stable_mosaic.version = 14 : i64} {
  func.func @_tc_l2_body(%arg0: i32, %arg1: memref<2x512x128xf32, #tpu.memory_space<vmem>>, %arg2: memref<512x128xf32, #tpu.memory_space<vmem>>, %arg3: memref<512x1xf32, #tpu.memory_space<vmem>>, %arg4: memref<1x512xi32, #tpu.memory_space<vmem>>, %arg5: memref<128x128xf32, #tpu.memory_space<vmem>>, %arg6: memref<1x128xf32, #tpu.memory_space<vmem>>, %arg7: memref<64x128xf32, #tpu.memory_space<vmem>>, %arg8: memref<64x128xf32, #tpu.memory_space<vmem>>, %arg9: memref<64x128xf32, #tpu.memory_space<vmem>>) attributes {dimension_semantics = [#tpu.dimension_semantics<arbitrary>], iteration_bounds = array<i64: 20>, scalar_prefetch = 0 : i64, scratch_operands = 2 : i64, tpu.core_type = #tpu.core_type<tc>, window_params = [{transform_indices = @transform_0, window_bounds = array<i64: 2, 512, 128>}, {transform_indices = @transform_1, window_bounds = array<i64: 512, 128>}, {transform_indices = @transform_2, window_bounds = array<i64: 512, 1>}, {transform_indices = @transform_3, window_bounds = array<i64: 1, 512>}, {pipeline_mode = #tpu.pipeline_mode<synchronous>, transform_indices = @transform_4, window_bounds = array<i64: 128, 128>}, {pipeline_mode = #tpu.pipeline_mode<synchronous>, transform_indices = @transform_5, window_bounds = array<i64: 1, 128>}, {pipeline_mode = #tpu.pipeline_mode<synchronous>, transform_indices = @transform_6, window_bounds = array<i64: 64, 128>}]} {
    %eq3A = arith.constant 0 : i32
    %eq3A_0 = arith.cmpi eq, %arg0, %eq3A : i32
    %convert_element_type3A = arith.extui %eq3A_0 : i1 to i32
    %cond3A = arith.constant 0 : i32
    %cond3A_1 = arith.cmpi ne, %convert_element_type3A, %cond3A : i32
    scf.if %cond3A_1 {
      %broadcast_in_dim3A_69 = arith.constant 0.000000e+00 : f32
      %broadcast_in_dim3A_70 = vector.broadcast %broadcast_in_dim3A_69 : f32 to vector<64x128xf32>
      %swap3A_71 = arith.constant 0 : index
      %swap3A_72 = arith.constant 0 : index
      %swap3A_73 = vector.load %arg8[%swap3A_71, %swap3A_72] : memref<64x128xf32, #tpu.memory_space<vmem>>, vector<64x128xf32>
      tpu.vector_store %arg8[%swap3A_71, %swap3A_72], %broadcast_in_dim3A_70 {strides = array<i32>} : memref<64x128xf32, #tpu.memory_space<vmem>>, vector<64x128xf32>,
      %broadcast_in_dim3A_74 = arith.constant 0.000000e+00 : f32
      %broadcast_in_dim3A_75 = vector.broadcast %broadcast_in_dim3A_74 : f32 to vector<64x128xf32>
      %swap3A_76 = arith.constant 0 : index
      %swap3A_77 = arith.constant 0 : index
      %swap3A_78 = vector.load %arg9[%swap3A_76, %swap3A_77] : memref<64x128xf32, #tpu.memory_space<vmem>>, vector<64x128xf32>
      tpu.vector_store %arg9[%swap3A_76, %swap3A_77], %broadcast_in_dim3A_75 {strides = array<i32>} : memref<64x128xf32, #tpu.memory_space<vmem>>, vector<64x128xf32>,
    } else {
    }
    %get3A = arith.constant 0 : index
    %get3A_2 = arith.constant 0 : index
    %get3A_3 = vector.load %arg3[%get3A, %get3A_2] : memref<512x1xf32, #tpu.memory_space<vmem>>, vector<512x1xf32>
    %get3A_4 = arith.constant 0 : index
    %get3A_5 = arith.constant 0 : index
    %get3A_6 = arith.constant 0 : index
    %get3A_7 = vector.load %arg1[%get3A_4, %get3A_5, %get3A_6] : memref<2x512x128xf32, #tpu.memory_space<vmem>>, vector<1x512x128xf32>
    %get3A_8 = vector.shape_cast %get3A_7 : vector<1x512x128xf32> to vector<512x128xf32>
    %get3A_9 = arith.constant 1 : index
    %get3A_10 = arith.constant 0 : index
    %get3A_11 = arith.constant 0 : index
    %get3A_12 = vector.load %arg1[%get3A_9, %get3A_10, %get3A_11] : memref<2x512x128xf32, #tpu.memory_space<vmem>>, vector<1x512x128xf32>
    %get3A_13 = vector.shape_cast %get3A_12 : vector<1x512x128xf32> to vector<512x128xf32>
    %add3A = arith.addf %get3A_8, %get3A_13 : vector<512x128xf32>
    %get3A_14 = arith.constant 0 : index
    %get3A_15 = arith.constant 0 : index
    %get3A_16 = vector.load %arg2[%get3A_14, %get3A_15] : memref<512x128xf32, #tpu.memory_space<vmem>>, vector<512x128xf32>
    %add3A_17 = arith.addf %add3A, %get3A_16 : vector<512x128xf32>
    %mul3A = vector.broadcast %get3A_3 : vector<512x1xf32> to vector<512x128xf32>
    %mul3A_18 = arith.mulf %mul3A, %add3A_17 : vector<512x128xf32>
    %get3A_19 = arith.constant 0 : index
    %get3A_20 = arith.constant 0 : index
    %get3A_21 = vector.load %arg5[%get3A_19, %get3A_20] : memref<128x128xf32, #tpu.memory_space<vmem>>, vector<128x128xf32>
    %dot_general3A = arith.constant dense<0.000000e+00> : vector<512x128xf32>
    %dot_general3A_22 = tpu.matmul %mul3A_18, %get3A_21, %dot_general3A {dimension_numbers = #tpu.dot_dimension_numbers<[1], [0], [0], [1], [0, 0, 1, 1], [], []>, transpose_lhs_hint = false} : vector<512x128xf32>, vector<128x128xf32>, vector<512x128xf32> -> vector<512x128xf32>
    %get3A_23 = arith.constant 0 : index
    %get3A_24 = arith.constant 0 : index
    %get3A_25 = vector.load %arg6[%get3A_23, %get3A_24] : memref<1x128xf32, #tpu.memory_space<vmem>>, vector<1x128xf32>
    %add3A_26 = vector.broadcast %get3A_25 : vector<1x128xf32> to vector<512x128xf32>
    %add3A_27 = arith.addf %dot_general3A_22, %add3A_26 : vector<512x128xf32>
    %max3A = arith.constant 0.000000e+00 : f32
    %max3A_28 = vector.broadcast %max3A : f32 to vector<512x128xf32>
    %max3A_29 = arith.maximumf %add3A_27, %max3A_28 : vector<512x128xf32>
    %mul3A_30 = arith.constant 512 : i32
    %mul3A_31 = arith.muli %arg0, %mul3A_30 : i32
    %iota3A = tpu.iota {dimensions = array<i32: 1>} : vector<1x512xi32>
    %add3A_32 = vector.broadcast %mul3A_31 : i32 to vector<1x512xi32>
    %add3A_33 = arith.addi %add3A_32, %iota3A : vector<1x512xi32>
    %iota3A_34 = tpu.iota {dimensions = array<i32: 0>} : vector<64x512xi32>
    %get3A_35 = arith.constant 0 : index
    %get3A_36 = arith.constant 0 : index
    %get3A_37 = vector.load %arg4[%get3A_35, %get3A_36] : memref<1x512xi32, #tpu.memory_space<vmem>>, vector<1x512xi32>
    %eq3A_38 = vector.broadcast %get3A_37 : vector<1x512xi32> to vector<64x512xi32>
    %eq3A_39 = arith.cmpi eq, %iota3A_34, %eq3A_38 : vector<64x512xi32>
    %lt3A = arith.constant 10000 : i32
    %lt3A_40 = vector.broadcast %lt3A : i32 to vector<1x512xi32>
    %lt3A_41 = arith.cmpi slt, %add3A_33, %lt3A_40 : vector<1x512xi32>
    %and3A = vector.broadcast %lt3A_41 : vector<1x512xi1> to vector<64x512xi1>
    %and3A_42 = arith.andi %eq3A_39, %and3A : vector<64x512xi1>
    %jit3A = arith.constant 1.000000e+00 : f32
    %jit3A_43 = arith.constant 0.000000e+00 : f32
    %broadcast_in_dim3A = vector.broadcast %jit3A : f32 to vector<64x512xf32>
    %broadcast_in_dim3A_44 = vector.broadcast %jit3A_43 : f32 to vector<64x512xf32>
    %select_n3A = arith.select %and3A_42, %broadcast_in_dim3A, %broadcast_in_dim3A_44 : vector<64x512xi1>, vector<64x512xf32>
    %get3A_45 = arith.constant 0 : index
    %get3A_46 = arith.constant 0 : index
    %get3A_47 = vector.load %arg8[%get3A_45, %get3A_46] : memref<64x128xf32, #tpu.memory_space<vmem>>, vector<64x128xf32>
    %dot_general3A_48 = arith.constant dense<0.000000e+00> : vector<64x128xf32>
    %dot_general3A_49 = tpu.matmul %select_n3A, %max3A_29, %dot_general3A_48 {dimension_numbers = #tpu.dot_dimension_numbers<[1], [0], [0], [1], [0, 0, 1, 1], [], []>, transpose_lhs_hint = false} : vector<64x512xf32>, vector<512x128xf32>, vector<64x128xf32> -> vector<64x128xf32>
    %add3A_50 = arith.addf %get3A_47, %dot_general3A_49 : vector<64x128xf32>
    %swap3A = arith.constant 0 : index
    %swap3A_51 = arith.constant 0 : index
    %swap3A_52 = vector.load %arg8[%swap3A, %swap3A_51] : memref<64x128xf32, #tpu.memory_space<vmem>>, vector<64x128xf32>
    tpu.vector_store %arg8[%swap3A, %swap3A_51], %add3A_50 {strides = array<i32>} : memref<64x128xf32, #tpu.memory_space<vmem>>, vector<64x128xf32>,
    %get3A_53 = arith.constant 0 : index
    %get3A_54 = arith.constant 0 : index
    %get3A_55 = vector.load %arg9[%get3A_53, %get3A_54] : memref<64x128xf32, #tpu.memory_space<vmem>>, vector<64x128xf32>
    %reduce_sum3A = arith.constant dense<0.000000e+00> : vector<64xf32>
    %reduce_sum3A_56 = vector.multi_reduction <add>, %select_n3A, %reduce_sum3A [1] : vector<64x512xf32> to vector<64xf32>
    %broadcast_in_dim3A_57 = vector.shape_cast %reduce_sum3A_56 : vector<64xf32> to vector<64x1xf32>
    %broadcast_in_dim3A_58 = vector.shape_cast %broadcast_in_dim3A_57 : vector<64x1xf32> to vector<64x1xf32>
    %broadcast_in_dim3A_59 = vector.broadcast %broadcast_in_dim3A_58 : vector<64x1xf32> to vector<64x128xf32>
    %add3A_60 = arith.addf %get3A_55, %broadcast_in_dim3A_59 : vector<64x128xf32>
    %swap3A_61 = arith.constant 0 : index
    %swap3A_62 = arith.constant 0 : index
    %swap3A_63 = vector.load %arg9[%swap3A_61, %swap3A_62] : memref<64x128xf32, #tpu.memory_space<vmem>>, vector<64x128xf32>
    tpu.vector_store %arg9[%swap3A_61, %swap3A_62], %add3A_60 {strides = array<i32>} : memref<64x128xf32, #tpu.memory_space<vmem>>, vector<64x128xf32>,
    %eq3A_64 = arith.constant 19 : i32
    %eq3A_65 = arith.cmpi eq, %arg0, %eq3A_64 : i32
    %convert_element_type3A_66 = arith.extui %eq3A_65 : i1 to i32
    %cond3A_67 = arith.constant 0 : i32
    %cond3A_68 = arith.cmpi ne, %convert_element_type3A_66, %cond3A_67 : i32
    scf.if %cond3A_68 {
      %get3A_69 = arith.constant 0 : index
      %get3A_70 = arith.constant 0 : index
      %get3A_71 = vector.load %arg8[%get3A_69, %get3A_70] : memref<64x128xf32, #tpu.memory_space<vmem>>, vector<64x128xf32>
      %get3A_72 = arith.constant 0 : index
      %get3A_73 = arith.constant 0 : index
      %get3A_74 = vector.load %arg9[%get3A_72, %get3A_73] : memref<64x128xf32, #tpu.memory_space<vmem>>, vector<64x128xf32>
      %max3A_75 = arith.constant 1.000000e+00 : f32
      %max3A_76 = vector.broadcast %max3A_75 : f32 to vector<64x128xf32>
      %max3A_77 = arith.maximumf %get3A_74, %max3A_76 : vector<64x128xf32>
      %div3A = arith.divf %get3A_71, %max3A_77 : vector<64x128xf32>
      %swap3A_78 = arith.constant 0 : index
      %swap3A_79 = arith.constant 0 : index
      %swap3A_80 = vector.load %arg7[%swap3A_78, %swap3A_79] : memref<64x128xf32, #tpu.memory_space<vmem>>, vector<64x128xf32>
      tpu.vector_store %arg7[%swap3A_78, %swap3A_79], %div3A {strides = array<i32>} : memref<64x128xf32, #tpu.memory_space<vmem>>, vector<64x128xf32>,
    } else {
    }
    return
  }
  func.func @transform_0(%arg0: i32) -> (i32, i32, i32) {
    %c0_i32 = arith.constant 0 : i32
    %c0_i32_0 = arith.constant 0 : i32
    %c0_i32_1 = arith.constant 0 : i32
    return %c0_i32, %arg0, %c0_i32_0 : i32, i32, i32
  }
  func.func @transform_1(%arg0: i32) -> (i32, i32) {
    %c0_i32 = arith.constant 0 : i32
    %c0_i32_0 = arith.constant 0 : i32
    return %arg0, %c0_i32 : i32, i32
  }
  func.func @transform_2(%arg0: i32) -> (i32, i32) {
    %c0_i32 = arith.constant 0 : i32
    %c0_i32_0 = arith.constant 0 : i32
    return %arg0, %c0_i32 : i32, i32
  }
  func.func @transform_3(%arg0: i32) -> (i32, i32) {
    %c0_i32 = arith.constant 0 : i32
    %c0_i32_0 = arith.constant 0 : i32
    return %c0_i32, %arg0 : i32, i32
  }
  func.func @transform_4(%arg0: i32) -> (i32, i32) {
    %c0_i32 = arith.constant 0 : i32
    %c0_i32_0 = arith.constant 0 : i32
    %c0_i32_1 = arith.constant 0 : i32
    return %c0_i32, %c0_i32_0 : i32, i32
  }
  func.func @transform_5(%arg0: i32) -> (i32, i32) {
    %c0_i32 = arith.constant 0 : i32
    %c0_i32_0 = arith.constant 0 : i32
    %c0_i32_1 = arith.constant 0 : i32
    return %c0_i32, %c0_i32_0 : i32, i32
  }
  func.func @transform_6(%arg0: i32) -> (i32, i32) {
    %c0_i32 = arith.constant 0 : i32
    %c0_i32_0 = arith.constant 0 : i32
    %c0_i32_1 = arith.constant 0 : i32
    return %c0_i32, %c0_i32_0 : i32, i32
  }
}

</mosaic_0001>

<sc_bundles>
// kernel: kernel.11.cloned.1.call-start
scs
__scs_entry_jumppad:
0x0: {  	(pc) =	sbr.rel $0x88, $3  }
0x1: {  	(tag) =	ssettag $0x0;
	lr =	simm.s32 $0x1  }
0x2: {  	[smem:$0x3F99] =	sst lr;
	_ =	strace $0xD0000000  }
0x3: {  	_ = 	snop  }
0x4: {  	_ = 	snop  }
0x5: {  	_ = 	snop  }
0x6: {  	_ = 	snop  }
0x7: {  	_ = 	snop  }
__scs_overlays_trampoline_lowered:
0x8: {  	[smem:$0x3FA8] =	sst s0  }
0x9: {  	[smem:$0x3FA9] =	sst s1  }
0xa: {  	[smem:$0x3FAA] =	sst s2  }
0xb: {  	[smem:$0x3FAB] =	sst s3  }
0xc: {  	[smem:$0x3FAC] =	sst s4  }
0xd: {  	[smem:$0x3FAD] =	sst s5  }
0xe: {  	[smem:$0x3FAE] =	sst s6  }
0xf: {  	[smem:$0x3FAF] =	sst s7  }
0x10: {  	[smem:$0x3FB0] =	sst s8  }
0x11: {  	[smem:$0x3FB1] =	sst s9;
	s0 =	simm.s32 @!p0 $0x0  }
0x12: {  	s1 =	sld [smem:$0x3F97];
	s0 =	simm.s32 @p0 $0x1  }
0x13: {  	[smem:$0x3FB2] =	sst s0;
	s0 =	simm.s32 @!p1 $0x0  }
0x14: {  	s2 =	sld [smem:$0x3F96];
	s0 =	simm.s32 @p1 $0x1  }
0x15: {  	[smem:$0x3FB3] =	sst s0;
	s0 =	simm.s32 @!p2 $0x0  }
0x16: {  	s3 =	sld [smem:$0x3FDB];
	s0 =	simm.s32 @p2 $0x1  }
0x17: {  	s4 =	simm.s32 $0x1BF5;
	[smem:$0x3FB5] =	sst s0  }
0x18: {  	s0 =	sld [smem:$0x3F98];
	_ =	swait.ge [sflag:s4], $0x0  }
0x19: {  	s7 =	sld [smem:$0x3F99]  }
0x1a: {  	s8 =	sadd.s32 $0xFFFFE003, lr  }
0x1b: {  	s9 =	sadd.s32 $0xFFFFFEF7, lr;
	s5 =	simm.s32 $0xFFFFFFFF;
	p2 =	slt.u32 s8, $0xFFFFF086  }
0x1c: {  	p1 =	slt.u32 s9, $0xF7A;
	s5 =	simm.s32 @!p2 $0x0  }
0x1d: {  	s5 =	simm.s32 @p1 $0x1;
	p0 =	seq.s32 s7, s2  }
0x1e: {  	s7 =	smul.u32 @!p0 $0xF7A, s2;
	p2 =	seq.s32 @!p0 s5, $0x0  }
0x1f: {  	s9 =	smul.u32 $0xF7A, s1;
	s8 =	simm.s32 @!p0 $0x1BF5;
	p2 =	por !p2, p0  }
0x20: {  	[sflag:s8] =	ssyncset.s32 @!p0 $0xFFFFF086;
	s6 =	sadd.s32 @!p0 s3, s7;
	s7 =	simm.s32 @!p0 $0x108  }
0x21: {  	s3 =	sadd.s32 s3, s9;
	s6 =	sadd.s32 @!p0 $0x88, s6;
	s7 =	simm.s32 @p2 $0x1082  }
0x22: {  	[simem:s7], [sflag:s8] =	dma.local @!p0 [hbm:s6], $0xF7A  }
0x23: {  	s9 =	sor.u32 $0xD0000000, s2;
	s6 =	simm.s32 $0x108;
	_ =	swait.ge @!p0 [sflag:s8], $0x0  }
0x24: {  	s3 =	sadd.s32 $0x88, s3;
	s6 =	simm.s32 @!p1 $0x1082;
	[sflag:s4] =	ssyncset.s32 $0xFFFFF086  }
0x25: {  	[simem:s6], [sflag:s4] =	dma.local [hbm:s3], $0xF7A  }
0x26: {  	[smem:$0x3F99] =	sst s1;
	(tag) =	ssettag s2;
	_ =	strace s9  }
0x27: {  	s1 =	sld [smem:$0x3FA9]  }
0x28: {  	s2 =	sld [smem:$0x3FAA]  }
0x29: {  	s4 =	sld [smem:$0x3FAC]  }
0x2a: {  	p0 =	seq.s32 s5, $0x0;
	s5 =	sld [smem:$0x3FAD]  }
0x2b: {  	s6 =	sld [smem:$0x3FAE]  }
0x2c: {  	s7 =	sld [smem:$0x3FAF]  }
0x2d: {  	s3 =	simm.s32 $0x108;
	s8 =	sld [smem:$0x3FB0]  }
0x2e: {  	s3 =	simm.s32 @!p0 $0x1082;
	s9 =	sld [smem:$0x3FB1]  }
0x2f: {  	lr =	sadd.s32 s0, s3;
	s0 =	sld [smem:$0x3FA8]  }
0x30: {  	s3 =	sld [smem:$0x3FAB]  }
0x31: {  	[smem:$0x3FB4] =	sst s10  }
0x32: {  	s10 =	sld [smem:$0x3FB2];
	_ =	sdelay $0x3  }
0x33: {  	p0 =	seq.s32 s10, $0x1;
	s10 =	sld [smem:$0x3FB4];
	_ =	sdelay $0x3  }
0x34: {  	[smem:$0x3FB4] =	sst s10  }
0x35: {  	s10 =	sld [smem:$0x3FB3];
	_ =	sdelay $0x3  }
0x36: {  	p1 =	seq.s32 s10, $0x1;
	s10 =	sld [smem:$0x3FB4];
	_ =	sdelay $0x3  }
0x37: {  	[smem:$0x3FB4] =	sst s10  }
0x38: {  	s10 =	sld [smem:$0x3FB5]  }
0x39: {  	_ = 	snop;
	(pc) =	sbr.ind lr, $3  }
0x3a: {  	_ = 	snop  }
0x3b: {  	_ = 	snop  }
0x3c: {  	p2 =	seq.s32 s10, $0x1;
	s10 =	sld [smem:$0x3FB4]  }
0x3d: {  	_ =	shalt  }
0x3e: {  	_ =	shalt  }
0x3f: {  	_ =	shalt  }
0x40: {  	_ =	shalt  }
0x41: {  	_ =	shalt  }
0x42: {  	_ =	shalt  }
0x43: {  	_ =	shalt  }
0x44: {  	_ =	shalt  }
0x45: {  	_ =	shalt  }
0x46: {  	_ =	shalt  }
0x47: {  	_ =	shalt  }
0x48: {  	_ =	shalt  }
0x49: {  	_ =	shalt  }
0x4a: {  	_ =	shalt  }
0x4b: {  	_ =	shalt  }
0x4c: {  	_ =	shalt  }
0x4d: {  	_ =	shalt  }
0x4e: {  	_ =	shalt  }
0x4f: {  	_ =	shalt  }
0x50: {  	_ =	shalt  }
0x51: {  	_ =	shalt  }
0x52: {  	_ =	shalt  }
0x53: {  	_ =	shalt  }
0x54: {  	_ =	shalt  }
0x55: {  	_ =	shalt  }
0x56: {  	_ =	shalt  }
0x57: {  	_ =	shalt  }
0x58: {  	_ =	shalt  }
0x59: {  	_ =	shalt  }
0x5a: {  	_ =	shalt  }
0x5b: {  	_ =	shalt  }
0x5c: {  	_ =	shalt  }
0x5d: {  	_ =	shalt  }
0x5e: {  	_ =	shalt  }
0x5f: {  	_ =	shalt  }
0x60: {  	_ =	shalt  }
0x61: {  	_ =	shalt  }
0x62: {  	_ =	shalt  }
0x63: {  	_ =	shalt  }
0x64: {  	_ =	shalt  }
0x65: {  	_ =	shalt  }
0x66: {  	_ =	shalt  }
0x67: {  	_ =	shalt  }
0x68: {  	_ =	shalt  }
0x69: {  	_ =	shalt  }
0x6a: {  	_ =	shalt  }
0x6b: {  	_ =	shalt  }
0x6c: {  	_ =	shalt  }
0x6d: {  	_ =	shalt  }
0x6e: {  	_ =	shalt  }
0x6f: {  	_ =	shalt  }
0x70: {  	_ =	shalt  }
0x71: {  	_ =	shalt  }
0x72: {  	_ =	shalt  }
0x73: {  	_ =	shalt  }
0x74: {  	_ =	shalt  }
0x75: {  	_ =	shalt  }
0x76: {  	_ =	shalt  }
0x77: {  	_ =	shalt  }
0x78: {  	_ =	shalt  }
0x79: {  	_ =	shalt  }
0x7a: {  	_ =	shalt  }
0x7b: {  	_ =	shalt  }
0x7c: {  	_ =	shalt  }
0x7d: {  	_ =	shalt  }
0x7e: {  	_ =	shalt  }
0x7f: {  	_ =	shalt  }
0x80: {  	_ =	shalt  }
0x81: {  	_ =	shalt  }
0x82: {  	_ =	shalt  }
0x83: {  	_ =	shalt  }
0x84: {  	_ =	shalt  }
0x85: {  	_ =	shalt  }
0x86: {  	_ =	shalt  }
0x87: {  	_ =	shalt  }
.Lfunc_end0:
.L_simem_size_0:
called_computation.1_lowered:
.L_overlay_start_0:
0x88: {  	s2 =	sld [smem:$0x3FD9]  }
0x89: {  	s3 =	sld [smem:$0x3FFE];
	_ =	sdelay $0x1  }
0x8a: {  	s1 =	srdreg.scid  }
0x8b: {  	s0 =	sand.u32 $0x1, s1  }
0x8c: {  	s16 =	sshll.u32 s0, $0xA;
	s2 =	sadd.s32 s3, s2  }
0x8d: {  	s2 =	sadd.s32 s2, s16  }
0x8e: {  	[smem:$0x3FC0] =	sst s2  }
0x8f: {  	_ = 	snop  }
0x90: {  	(tm) =	ssettm $0x1  }
0x91: {  	s17 =	sld [smem:$0x3FFB];
	_ =	sdelay $0x3  }
0x92: {  	_ =	strace s17  }
0x93: {  	s2 =	sld [smem:$0x3FFC];
	_ =	sdelay $0x3  }
0x94: {  	_ =	strace s2  }
0x95: {  	s2 =	sld [smem:$0x3FFD];
	_ =	sdelay $0x3  }
0x96: {  	_ =	strace s2  }
0x97: {  	_ =	strace $0x8FFFFFFF  }
0x98: {  	s18 =	sld [smem:$0x3FDB];
	_ =	sdelay $0x1  }
0x99: {  	s19 =	simm.s32 $_scs_section_size  }
0x9a: {  	s4 =	simm.s32 $_size__tile_overlayer_lowered;
	s5 =	simm.s32 $_tile_overlayer_lowered  }
0x9b: {  	s22 =	simm.s32 $0x1BFF;
	s21 =	sshll.u32 s5, $0x1;
	s2 =	sadd.s32 s19, s18  }
0x9c: {  	s6 =	simm.s32 $0x0;
	s20 =	sshll.u32 s4, $0x1;
	s4 =	sadd.s32 s21, s2  }
0x9d: {  	[timem:s6], [sflag:s22] =	dma.local [hbm:s4], s20  }
0x9e: {  	_ =	swait.ge [sflag:s22], s20  }
0x9f: {  	s3 =	ssub.s32 $0x0, s20;
	[sflag:s22] =	ssyncset.done $0x0  }
0xa0: {  	[sflag:s22] =	ssyncadd.s32 s3;
	_ =	sdelay $0x1  }
0xa1: {  	s23 =	simm.s32 $0x1B8B  }
0xa2: {  	_ =	swait.ge [sflag:s23], $0x1  }
0xa3: {  	[sflag:s23] =	ssyncset.done $0x0  }
0xa4: {  	s25 =	simm.s32 $0x1B8E;
	s24 =	sld [smem:$0x3FFE];
	[sflag:s23] =	ssyncadd.s32 $0xFFFFFFFF  }
0xa5: {  	s26 =	simm.s32 $execute0_lowered;
	[smem:$0x3FD2] =	sst s25  }
0xa6: {  	s4 =	sshll.u32 s26, $0x1;
	_ =	strace $0x80000049;
	[dreg:$0x1] =	wrdreg $0xFFFFFFFF  }
0xa7: {  	s28 =	simm.s32 $_size_execute0_lowered;
	s2 =	sadd.s32 s2, s4;
	[dreg:$0x0] =	wrdreg $0x0  }
0xa8: {  	s4 =	sshll.u32 s28, $0x1;
	[dreg:$0x2] =	wrdreg s2  }
0xa9: {  	[dreg:$0x3] =	wrdreg s4  }
0xaa: {  	[dreg:$0x4] =	wrdreg $0xC0  }
0xab: {  	_ =	task [dreg:s6], $0x5FFFF  }
0xac: {  	[dreg:$0x1] =	wrdreg $0xFFFFFFFF  }
0xad: {  	[dreg:$0x0] =	wrdreg $0x60  }
0xae: {  	[dreg:$0x2] =	wrdreg s24  }
0xaf: {  	[dreg:$0x3] =	wrdreg $0x54000  }
0xb0: {  	[dreg:$0x4] =	wrdreg $0x9  }
0xb1: {  	_ =	task.clear_ibuf [dreg:s6], $0x5FFFF;
	_ =	strace $0x90000049  }
0xb2: {  	s29 =	simm.s32 $0x9;
	_ =	strace $0x8000004B  }
0xb3: {  	_ =	swait.ge [sflag:s29], $0x1  }
0xb4: {  	[sflag:s29] =	ssyncadd.s32 $0xFFFFFFFF  }
0xb5: {  	_ =	strace $0x9000004B  }
0xb6: {  	_ =	sfence  }
0xb7: {  	s30 =	sld [smem:$0x0];
	_ =	sdelay $0x2  }
0xb8: {  	s31 =	sshll.u32 s1, $0xD;
	s1 =	sshrl.u32 s1, $0x2  }
0xb9: {  	s3 =	sand.u32 $0x4000, s31;
	s1 =	sadd.s32 s1, s30  }
0xba: {  	s0 =	sor.u32 s3, s0;
	s1 =	sshll.u32 s1, $0x11  }
0xbb: {  	s0 =	sor.u32 s1, s0  }
0xbc: {  	s0 =	sadd.s32 $0x8F2B, s0  }
0xbd: {  	[sflag:s0] =	ssyncadd.remote.s32 $0x1  }
0xbe: {  	_ =	sfence.sel $0xFFFF  }
0xbf: {  	[dreg:$0x0] =	wrdreg $0xFFFFFFFF;
	(pc) =	sbr.abs _section_cstart, $3  }
0xc0: {  	[dreg:$0x1] =	wrdreg $0xFFFFFFFF  }
0xc1: {  	_ =	task.clear_ibuf [dreg:s6], $0x2FFFF;
	_ =	strace $0x9FFFFFFF  }
0xc2: {  	(tm) =	ssettm $0x7FFFFFFF  }
0xc3: {  	_ =	shalt  }
tec
execute0_lowered:
.L_overlay_start_1:
0x0: {  	(tag) =	ssettag $0x1  }
0x1: {  	s7 =	rddreg [dreg:$0x0]  }
0x2: {  	s1 =	rddreg [dreg:$0x1]  }
0x3: {  	s2 =	simm.s32 $0x0;
	s5 =	srdreg.scid;
	s3 =	stileid.u32  }
0x4: {  	s17 =	simm.s32 $0x5000;
	s18 =	simm.s32 $0x5080;
	s19 =	simm.s32 $0x80  }
0x5: {  	s20 =	simm.s32 $0x5100;
	s21 =	simm.s32 $0x5180;
	s22 =	simm.s32 $0x5200  }
0x6: {  	s28 =	simm.s32 $0x20;
	s29 =	simm.s32 $0x0;
	[smem:$0x7FF] =	sst s2  }
0x7: {  	s12 =	sadd.s32 $0xBE00, s7;
	s11 =	sadd.s32 $0x2000, s7;
	s9 =	smul.u32 $0xA000, s3  }
0x8: {  	s4 =	sadd.s32 $0x17000, s7;
	s8 =	sand.u32 $0x1, s5;
	s13 =	smul.u32 $0x14000, s3  }
0x9: {  	s5 =	sadd.s32 $0x16600, s7;
	s15 =	smul.u32 $0x2710, s3;
	s31 =	sshll.u32 s3, $0x6  }
0xa: {  	_ =	strace $0x8000004A;
	s6 =	sshll.u32 s8, $0x4;
	s10 =	sshll.u32 s8, $0x7  }
0xb: {  	s24 =	ssub.s32 $0x2, s8;
	s8 =	smul.u32 $0x27100, s8;
	s14 =	sor.u32 s3, s6  }
0xc: {  	s6 =	sadd.s32 $0x15C00, s7;
	s9 =	sor.u32 s10, s9;
	s25 =	sshrl.u32 s24, $0x1  }
0xd: {  	s26 =	sshrl.u32 s13, $0x2;
	s23 =	smul.u32 $0x2710, s14;
	s9 =	sshrl.u32 s9, $0x3  }
0xe: {  	s14 =	ssub.s32 s24, s25;
	s16 =	sadd.s32 s26, s1;
	s30 =	sadd.s32 s15, s8  }
0xf: {  	s15 =	sor.u32 $0x1C01, s31;
	s24 =	simm.s32 $0x10;
	s25 =	simm.s32 $0x5300  }
0x10: {  	s26 =	simm.s32 $0x5380;
	s9 =	sadd.s32 s9, s7;
	s10 =	sshrl.u32 s23, $0x3  }
0x11: {  	s13 =	sshrl.u32 s30, $0x3;
	s16 =	sshrl.u32 s16, $0x3;
	s10 =	sadd.s32 $0x4E0, s10  }
0x12: {  	s9 =	sadd.s32 $0x17600, s9;
	s23 =	simm.s32 $0x5280;
	s7 =	sadd.s32 s12, s10  }
0x13: {  	s8 =	sadd.s32 s11, s10;
	s10 =	smax.u32 s14, $0x1;
	s11 =	sadd.s32 s13, s11  }
0x14: {  	s12 =	sadd.s32 s13, s12;
	s13 =	simm.s32 $0x1;
	s14 =	simm.s32 $0x2800  }
.LBB2_1:
0x15: {  	[tilespmem:s2], [sflag:$0x1] =	stream.linear.gather [hbm4b:s4+s2], $0x2800, $0x38;
	[tilespmem:$0xA400] =	vst v63  }
0x16: {  	_ =	swait.ge [sflag:s13], $0x2800  }
0x17: {  	[sflag:s13] =	ssyncset.done $0x0  }
0x18: {  	[sflag:s13] =	ssyncadd.s32 $0xFFFFD800  }
0x19: {  	[tilespmem:s14], [sflag:$0x1] =	stream.linear.gather [hbm4b:s5+s2], $0x2800, $0x38;
	[tilespmem:$0xA400] =	vst v63  }
0x1a: {  	_ =	swait.ge [sflag:s13], $0x2800  }
0x1b: {  	[sflag:s13] =	ssyncset.done $0x0  }
0x1c: {  	[sflag:s13] =	ssyncadd.s32 $0xFFFFD800  }
0x1d: {  	[spmem:s16], [sflag:s15] =	dma.local [hbm:s6], $0xA00  }
0x1e: {  	_ =	swait.ge [sflag:s13], $0xA00  }
0x1f: {  	[sflag:s13] =	ssyncset.done $0x0  }
0x20: {  	[sflag:s13] =	ssyncadd.s32 $0xFFFFF600  }
0x21: {  	s30 =	sadd.s32 $0x0, s12;
	[bflag:$0x0] =	sbarrier.arrive $0xFFFF  }
0x22: {  	[tilespmem:s17], [sflag:$0x1] =	stream.linear.gather [hbm4b:s30+s2], $0x80, $0x38;
	[tilespmem:$0xA400] =	vst v63  }
0x23: {  	_ =	swait.ge [sflag:s13], $0x80  }
0x24: {  	[sflag:s13] =	ssyncset.done $0x0  }
0x25: {  	s30 =	sadd.s32 $0x0, s11;
	[sflag:s13] =	ssyncadd.s32 $0xFFFFFF80  }
0x26: {  	[tilespmem:s18], [sflag:$0x1] =	stream.linear.gather [hbm4b:s30+s2], $0x80, $0x38;
	[tilespmem:$0xA400] =	vst v63  }
0x27: {  	_ =	swait.ge [sflag:s13], $0x80  }
0x28: {  	[sflag:s13] =	ssyncset.done $0x0  }
0x29: {  	[sflag:s13] =	ssyncadd.s32 $0xFFFFFF80  }
0x2a: {  	v0 =	vld [tilespmem:$0x5000];
	_ =	sdelay $0x5  }
0x2b: {  	v1 =	vld [tilespmem:$0x5080]  }
0x2c: {  	v2 =	vld [tilespmem:$0x5010]  }
0x2d: {  	v3 =	vld.idx.msk [tilespmem:v0+s2+$0x0], $0xffff  }
0x2e: {  	v0 =	vld.idx.msk [tilespmem:v0+s14+$0x0], $0xffff;
	_ =	sdelay $0x3  }
0x2f: {  	v1 =	vshll.u32 v1, $0x5  }
0x30: {  	v1 =	vadd.s32 v3, v1;
	v3 =	vld [tilespmem:$0x5090];
	[tilespmem:$0x5180] =	vst v0  }
0x31: {  	v0 =	vld [tilespmem:$0x5020];
	[tilespmem:$0x5100] =	vst v1  }
0x32: {  	v1 =	vld.idx.msk [tilespmem:v2+s2+$0x0], $0xffff  }
0x33: {  	v2 =	vld.idx.msk [tilespmem:v2+s14+$0x0], $0xffff;
	_ =	sdelay $0x3  }
0x34: {  	v3 =	vshll.u32 v3, $0x5  }
0x35: {  	v1 =	vadd.s32 v1, v3;
	v3 =	vld [tilespmem:$0x50A0];
	[tilespmem:$0x5190] =	vst v2  }
0x36: {  	[tilespmem:$0x5110] =	vst v1;
	v1 =	vld [tilespmem:$0x5030]  }
0x37: {  	v2 =	vld.idx.msk [tilespmem:v0+s2+$0x0], $0xffff  }
0x38: {  	v0 =	vld.idx.msk [tilespmem:v0+s14+$0x0], $0xffff;
	_ =	sdelay $0x3  }
0x39: {  	v3 =	vshll.u32 v3, $0x5  }
0x3a: {  	v2 =	vadd.s32 v2, v3;
	v3 =	vld [tilespmem:$0x50B0];
	[tilespmem:$0x51A0] =	vst v0  }
0x3b: {  	v0 =	vld [tilespmem:$0x5040];
	[tilespmem:$0x5120] =	vst v2  }
0x3c: {  	v2 =	vld.idx.msk [tilespmem:v1+s2+$0x0], $0xffff  }
0x3d: {  	v1 =	vld.idx.msk [tilespmem:v1+s14+$0x0], $0xffff;
	_ =	sdelay $0x3  }
0x3e: {  	v3 =	vshll.u32 v3, $0x5  }
0x3f: {  	v2 =	vadd.s32 v2, v3;
	v3 =	vld [tilespmem:$0x50C0];
	[tilespmem:$0x51B0] =	vst v1  }
0x40: {  	v1 =	vld [tilespmem:$0x5050];
	[tilespmem:$0x5130] =	vst v2  }
0x41: {  	v2 =	vld.idx.msk [tilespmem:v0+s2+$0x0], $0xffff  }
0x42: {  	v0 =	vld.idx.msk [tilespmem:v0+s14+$0x0], $0xffff;
	_ =	sdelay $0x3  }
0x43: {  	v3 =	vshll.u32 v3, $0x5  }
0x44: {  	v2 =	vadd.s32 v2, v3;
	v3 =	vld [tilespmem:$0x50D0];
	[tilespmem:$0x51C0] =	vst v0  }
0x45: {  	v0 =	vld [tilespmem:$0x5060];
	[tilespmem:$0x5140] =	vst v2  }
0x46: {  	v2 =	vld.idx.msk [tilespmem:v1+s2+$0x0], $0xffff  }
0x47: {  	v1 =	vld.idx.msk [tilespmem:v1+s14+$0x0], $0xffff;
	_ =	sdelay $0x3  }
0x48: {  	v3 =	vshll.u32 v3, $0x5  }
0x49: {  	v2 =	vadd.s32 v2, v3;
	v3 =	vld [tilespmem:$0x50E0];
	[tilespmem:$0x51D0] =	vst v1  }
0x4a: {  	v1 =	vld [tilespmem:$0x5070];
	[tilespmem:$0x5150] =	vst v2  }
0x4b: {  	v2 =	vld.idx.msk [tilespmem:v0+s2+$0x0], $0xffff  }
0x4c: {  	v0 =	vld.idx.msk [tilespmem:v0+s14+$0x0], $0xffff;
	_ =	sdelay $0x2  }
0x4d: {  	v4 =	vld [tilespmem:$0x50F0]  }
0x4e: {  	v3 =	vshll.u32 v3, $0x5  }
0x4f: {  	v2 =	vadd.s32 v2, v3;
	[tilespmem:$0x51E0] =	vst v0  }
0x50: {  	[tilespmem:$0x5160] =	vst v2  }
0x51: {  	v2 =	vld.idx.msk [tilespmem:v1+s2+$0x0], $0xffff  }
0x52: {  	s30 =	simm.s32 $0x10;
	v0 =	vshll.u32 v4, $0x5;
	v1 =	vld.idx.msk [tilespmem:v1+s14+$0x0], $0xffff  }
.LBB2_2:
0x53: {  	_ = 	snop  }
0x54: {  	p0 =	sne.s32 s30, $0x4D0;
	s31 =	smov.u32 s30;
	s30 =	sadd.s32 $0x10, s30  }
0x55: {  	_ = 	snop  }
0x56: {  	v0 =	vadd.s32 v2, v0  }
0x57: {  	[tilespmem:$0x5170] =	vst v0  }
0x58: {  	[tilespmem:$0x51F0] =	vst v1  }
0x59: {  	[spmem:s1] =	stream.indirect.scatter.add.f32 [tilespmem:s21], [sflag:$0x1], $0x1, s20, s19, $0xb8;
	[tilespmem:$0xA400] =	vst v63  }
0x5a: {  	_ =	swait.ge [sflag:s13], $0x80  }
0x5b: {  	[sflag:s13] =	ssyncset.done $0x0  }
0x5c: {  	s0 =	sadd.s32 s31, s12;
	[sflag:s13] =	ssyncadd.s32 $0xFFFFFF80  }
0x5d: {  	[tilespmem:s17], [sflag:$0x1] =	stream.linear.gather [hbm4b:s0+s2], $0x80, $0x38;
	[tilespmem:$0xA400] =	vst v63  }
0x5e: {  	_ =	swait.ge [sflag:s13], $0x80  }
0x5f: {  	[sflag:s13] =	ssyncset.done $0x0  }
0x60: {  	s0 =	sadd.s32 s31, s11;
	[sflag:s13] =	ssyncadd.s32 $0xFFFFFF80  }
0x61: {  	[tilespmem:s18], [sflag:$0x1] =	stream.linear.gather [hbm4b:s0+s2], $0x80, $0x38;
	[tilespmem:$0xA400] =	vst v63  }
0x62: {  	_ =	swait.ge [sflag:s13], $0x80  }
0x63: {  	[sflag:s13] =	ssyncset.done $0x0  }
0x64: {  	[sflag:s13] =	ssyncadd.s32 $0xFFFFFF80  }
0x65: {  	v0 =	vld [tilespmem:$0x5000]  }
0x66: {  	v1 =	vld [tilespmem:$0x5080]  }
0x67: {  	v2 =	vld [tilespmem:$0x5090]  }
0x68: {  	v3 =	vld [tilespmem:$0x50A0]  }
0x69: {  	v4 =	vld [tilespmem:$0x50B0]  }
0x6a: {  	v5 =	vld [tilespmem:$0x50C0]  }
0x6b: {  	v6 =	vld [tilespmem:$0x50D0]  }
0x6c: {  	v7 =	vld [tilespmem:$0x5010]  }
0x6d: {  	v8 =	vld.idx.msk [tilespmem:v0+s2+$0x0], $0xffff  }
0x6e: {  	v0 =	vld.idx.msk [tilespmem:v0+s14+$0x0], $0xffff  }
0x6f: {  	v9 =	vld [tilespmem:$0x50E0]  }
0x70: {  	v10 =	vld [tilespmem:$0x50F0];
	_ =	sdelay $0x1  }
0x71: {  	v1 =	vshll.u32 v1, $0x5  }
0x72: {  	v1 =	vadd.s32 v8, v1  }
0x73: {  	[tilespmem:$0x5100] =	vst v1  }
0x74: {  	[tilespmem:$0x5180] =	vst v0;
	v0 =	vld [tilespmem:$0x5020]  }
0x75: {  	v1 =	vld.idx.msk [tilespmem:v7+s2+$0x0], $0xffff  }
0x76: {  	v7 =	vld.idx.msk [tilespmem:v7+s14+$0x0], $0xffff;
	_ =	sdelay $0x2  }
0x77: {  	v2 =	vshll.u32 v2, $0x5;
	_ =	sdelay $0x1  }
0x78: {  	v1 =	vadd.s32 v1, v2  }
0x79: {  	[tilespmem:$0x5110] =	vst v1  }
0x7a: {  	[tilespmem:$0x5190] =	vst v7;
	v1 =	vld [tilespmem:$0x5030]  }
0x7b: {  	v2 =	vld.idx.msk [tilespmem:v0+s2+$0x0], $0xffff  }
0x7c: {  	v0 =	vld.idx.msk [tilespmem:v0+s14+$0x0], $0xffff;
	_ =	sdelay $0x1  }
0x7d: {  	v3 =	vshll.u32 v3, $0x5;
	_ =	sdelay $0x2  }
0x7e: {  	v2 =	vadd.s32 v2, v3  }
0x7f: {  	[tilespmem:$0x5120] =	vst v2  }
0x80: {  	[tilespmem:$0x51A0] =	vst v0;
	v0 =	vld [tilespmem:$0x5040]  }
0x81: {  	v2 =	vld.idx.msk [tilespmem:v1+s2+$0x0], $0xffff  }
0x82: {  	v1 =	vld.idx.msk [tilespmem:v1+s14+$0x0], $0xffff  }
0x83: {  	v3 =	vshll.u32 v4, $0x5;
	_ =	sdelay $0x3  }
0x84: {  	v2 =	vadd.s32 v2, v3  }
0x85: {  	[tilespmem:$0x5130] =	vst v2  }
0x86: {  	[tilespmem:$0x51B0] =	vst v1;
	v1 =	vld [tilespmem:$0x5050]  }
0x87: {  	v2 =	vld.idx.msk [tilespmem:v0+s2+$0x0], $0xffff  }
0x88: {  	v3 =	vshll.u32 v5, $0x5;
	v0 =	vld.idx.msk [tilespmem:v0+s14+$0x0], $0xffff;
	_ =	sdelay $0x4  }
0x89: {  	v2 =	vadd.s32 v2, v3  }
0x8a: {  	[tilespmem:$0x5140] =	vst v2  }
0x8b: {  	[tilespmem:$0x51C0] =	vst v0;
	v0 =	vld [tilespmem:$0x5060]  }
0x8c: {  	v3 =	vshll.u32 v6, $0x5;
	v2 =	vld.idx.msk [tilespmem:v1+s2+$0x0], $0xffff  }
0x8d: {  	v1 =	vld.idx.msk [tilespmem:v1+s14+$0x0], $0xffff;
	_ =	sdelay $0x4  }
0x8e: {  	v2 =	vadd.s32 v2, v3  }
0x8f: {  	[tilespmem:$0x5150] =	vst v2  }
0x90: {  	[tilespmem:$0x51D0] =	vst v1;
	v1 =	vshll.u32 v9, $0x5;
	v3 =	vld [tilespmem:$0x5070]  }
0x91: {  	v2 =	vld.idx.msk [tilespmem:v0+s2+$0x0], $0xffff  }
0x92: {  	v4 =	vld.idx.msk [tilespmem:v0+s14+$0x0], $0xffff;
	_ =	sdelay $0x4  }
.Ltmp0:
0x93: {  	v0 =	vadd.s32 v2, v1;
	(pc) =	sbr.rel @p0 .LBB2_2-.Ltmp0, $4  }
0x94: {  	[tilespmem:$0x5160] =	vst v0;
	v0 =	vshll.u32 v10, $0x5  }
0x95: {  	[tilespmem:$0x51E0] =	vst v4  }
0x96: {  	v2 =	vld.idx.msk [tilespmem:v3+s2+$0x0], $0xffff  }
0x97: {  	v1 =	vld.idx.msk [tilespmem:v3+s14+$0x0], $0xffff  }
0x98: {  	_ =	sdelay $0x2  }
0x99: {  	v0 =	vadd.s32 v2, v0  }
0x9a: {  	[tilespmem:$0x5170] =	vst v0  }
0x9b: {  	[tilespmem:$0x51F0] =	vst v1  }
0x9c: {  	[spmem:s1] =	stream.indirect.scatter.add.f32 [tilespmem:s21], [sflag:$0x1], $0x1, s20, s19, $0xb8;
	[tilespmem:$0xA400] =	vst v63  }
0x9d: {  	_ =	swait.ge [sflag:s13], $0x80  }
0x9e: {  	[sflag:s13] =	ssyncset.done $0x0  }
0x9f: {  	[sflag:s13] =	ssyncadd.s32 $0xFFFFFF80  }
0xa0: {  	[tilespmem:s22], [sflag:$0x1] =	stream.linear.gather [hbm4b:s7+s2], $0x10, $0x38;
	[tilespmem:$0xA400] =	vst v63  }
0xa1: {  	_ =	swait.ge [sflag:s13], $0x10  }
0xa2: {  	[sflag:s13] =	ssyncset.done $0x0  }
0xa3: {  	[sflag:s13] =	ssyncadd.s32 $0xFFFFFFF0  }
0xa4: {  	[tilespmem:s23], [sflag:$0x1] =	stream.linear.gather [hbm4b:s8+s2], $0x10, $0x38;
	[tilespmem:$0xA400] =	vst v63  }
0xa5: {  	_ =	swait.ge [sflag:s13], $0x10  }
0xa6: {  	[sflag:s13] =	ssyncset.done $0x0  }
0xa7: {  	[sflag:s13] =	ssyncadd.s32 $0xFFFFFFF0  }
0xa8: {  	v61 =	vld [tilespmem:$0x5200];
	_ =	sdelay $0x6  }
0xa9: {  	v62 =	vld [tilespmem:$0x5280]  }
0xaa: {  	v63 =	vld.idx.msk [tilespmem:v61+s2+$0x0], $0xffff  }
0xab: {  	v0 =	vld.idx.msk [tilespmem:v61+s14+$0x0], $0xffff;
	_ =	sdelay $0x3  }
0xac: {  	v1 =	vshll.u32 v62, $0x5  }
0xad: {  	v1 =	vadd.s32 v63, v1;
	[tilespmem:$0x5380] =	vst v0  }
0xae: {  	[tilespmem:$0x5300] =	vst v1  }
0xaf: {  	[spmem:s1] =	stream.indirect.scatter.add.f32 [tilespmem:s26], [sflag:$0x1], $0x1, s25, s24, $0xb8;
	[tilespmem:$0xA400] =	vst v63  }
0xb0: {  	_ =	swait.ge [sflag:s13], $0x10  }
0xb1: {  	s29 =	sadd.s32 $0x1, s29;
	[sflag:s13] =	ssyncset.done $0x0  }
0xb2: {  	p0 =	sne.s32 s29, s10;
	[sflag:s13] =	ssyncadd.s32 $0xFFFFFFF0  }
.Ltmp1:
0xb3: {  	[bflag:$0x0] =	sbarrier.arrive $0xFFFF;
	(pc) =	sbr.rel @p0 .LBB2_1-.Ltmp1, $4  }
0xb4: {  	[hbm:s9@s28], [sflag:s15] =	dma.strided [spmem:s16@s24], $0xA00, s13, $0x10   }
0xb5: {  	_ =	swait.ge [sflag:s13], $0xA00  }
0xb6: {  	[sflag:s13] =	ssyncset.done $0x0  }
0xb7: {  	[sflag:s13] =	ssyncadd.s32 $0xFFFFF600  }
0xb8: {  	_ =	sfence.sel $0x180000  }
0xb9: {  	[bflag:$0x0] =	sbarrier.arrive $0xFFFF  }
0xba: {  	_ =	strace $0x9000004A  }
0xbb: {  	[bflag:$0x2] =	sbarrier.arrive $0xFFFF  }
0xbc: {  	p0 =	sne.s32 s3, $0x0;
	s0 =	rddreg [dreg:$0x2]  }
0xbd: {  	s0 =	sadd.s32 @!p0 $0x100000, s0  }
0xbe: {  	[sflag:s0] =	ssyncadd.tile.s32 @!p0 $0x1;
	_ =	shalt  }
.Lfunc_end2:
_tile_overlayer_lowered:
.L_overlay_start_2:
0xbf: {  	(tag) =	ssettag $0x2  }
0xc0: {  	s0 =	rddreg [dreg:$0x0];
	s2 =	stileid.u32  }
0xc1: {  	s1 =	rddreg [dreg:$0x1];
	p0 =	sne.s32 s2, $0x0  }
0xc2: {  	s3 =	rddreg [dreg:$0x2];
	[bflag:$0x3] =	sbarrier.arrive $0xFFFF;
	s2 =	simm.s32 @!p0 $0x1C01  }
0xc3: {  	[timem:s3], [sflag:s2] =	dma.local @!p0 [hbm:s0], s1  }
0xc4: {  	s0 =	simm.s32 @!p0 $0x1  }
0xc5: {  	_ =	swait.ge @!p0 [sflag:s0], s1  }
0xc6: {  	s1 =	ssub.s32 @!p0 $0x0, s1;
	[sflag:s0] =	ssyncset.done @!p0 $0x0  }
0xc7: {  	[sflag:s0] =	ssyncadd.s32 @!p0 s1  }
0xc8: {  	[bflag:$0x3] =	sbarrier.arrive $0xFFFF  }
0xc9: {  	_ =	shalt  }

// kernel: kernel.14.cloned.1.call-start
scs
__scs_entry_jumppad:
0x0: {  	(pc) =	sbr.rel $0x88, $3  }
0x1: {  	(tag) =	ssettag $0x0;
	lr =	simm.s32 $0x1  }
0x2: {  	[smem:$0x3F99] =	sst lr;
	_ =	strace $0xD0000000  }
0x3: {  	_ = 	snop  }
0x4: {  	_ = 	snop  }
0x5: {  	_ = 	snop  }
0x6: {  	_ = 	snop  }
0x7: {  	_ = 	snop  }
__scs_overlays_trampoline_lowered:
0x8: {  	[smem:$0x3FA8] =	sst s0  }
0x9: {  	[smem:$0x3FA9] =	sst s1  }
0xa: {  	[smem:$0x3FAA] =	sst s2  }
0xb: {  	[smem:$0x3FAB] =	sst s3  }
0xc: {  	[smem:$0x3FAC] =	sst s4  }
0xd: {  	[smem:$0x3FAD] =	sst s5  }
0xe: {  	[smem:$0x3FAE] =	sst s6  }
0xf: {  	[smem:$0x3FAF] =	sst s7  }
0x10: {  	[smem:$0x3FB0] =	sst s8  }
0x11: {  	[smem:$0x3FB1] =	sst s9;
	s0 =	simm.s32 @!p0 $0x0  }
0x12: {  	s1 =	sld [smem:$0x3F97];
	s0 =	simm.s32 @p0 $0x1  }
0x13: {  	[smem:$0x3FB2] =	sst s0;
	s0 =	simm.s32 @!p1 $0x0  }
0x14: {  	s2 =	sld [smem:$0x3F96];
	s0 =	simm.s32 @p1 $0x1  }
0x15: {  	[smem:$0x3FB3] =	sst s0;
	s0 =	simm.s32 @!p2 $0x0  }
0x16: {  	s3 =	sld [smem:$0x3FDB];
	s0 =	simm.s32 @p2 $0x1  }
0x17: {  	s4 =	simm.s32 $0x1BF5;
	[smem:$0x3FB5] =	sst s0  }
0x18: {  	s0 =	sld [smem:$0x3F98];
	_ =	swait.ge [sflag:s4], $0x0  }
0x19: {  	s7 =	sld [smem:$0x3F99]  }
0x1a: {  	s8 =	sadd.s32 $0xFFFFE003, lr  }
0x1b: {  	s9 =	sadd.s32 $0xFFFFFEF7, lr;
	s5 =	simm.s32 $0xFFFFFFFF;
	p2 =	slt.u32 s8, $0xFFFFF086  }
0x1c: {  	p1 =	slt.u32 s9, $0xF7A;
	s5 =	simm.s32 @!p2 $0x0  }
0x1d: {  	s5 =	simm.s32 @p1 $0x1;
	p0 =	seq.s32 s7, s2  }
0x1e: {  	s7 =	smul.u32 @!p0 $0xF7A, s2;
	p2 =	seq.s32 @!p0 s5, $0x0  }
0x1f: {  	s9 =	smul.u32 $0xF7A, s1;
	s8 =	simm.s32 @!p0 $0x1BF5;
	p2 =	por !p2, p0  }
0x20: {  	[sflag:s8] =	ssyncset.s32 @!p0 $0xFFFFF086;
	s6 =	sadd.s32 @!p0 s3, s7;
	s7 =	simm.s32 @!p0 $0x108  }
0x21: {  	s3 =	sadd.s32 s3, s9;
	s6 =	sadd.s32 @!p0 $0x88, s6;
	s7 =	simm.s32 @p2 $0x1082  }
0x22: {  	[simem:s7], [sflag:s8] =	dma.local @!p0 [hbm:s6], $0xF7A  }
0x23: {  	s9 =	sor.u32 $0xD0000000, s2;
	s6 =	simm.s32 $0x108;
	_ =	swait.ge @!p0 [sflag:s8], $0x0  }
0x24: {  	s3 =	sadd.s32 $0x88, s3;
	s6 =	simm.s32 @!p1 $0x1082;
	[sflag:s4] =	ssyncset.s32 $0xFFFFF086  }
0x25: {  	[simem:s6], [sflag:s4] =	dma.local [hbm:s3], $0xF7A  }
0x26: {  	[smem:$0x3F99] =	sst s1;
	(tag) =	ssettag s2;
	_ =	strace s9  }
0x27: {  	s1 =	sld [smem:$0x3FA9]  }
0x28: {  	s2 =	sld [smem:$0x3FAA]  }
0x29: {  	s4 =	sld [smem:$0x3FAC]  }
0x2a: {  	p0 =	seq.s32 s5, $0x0;
	s5 =	sld [smem:$0x3FAD]  }
0x2b: {  	s6 =	sld [smem:$0x3FAE]  }
0x2c: {  	s7 =	sld [smem:$0x3FAF]  }
0x2d: {  	s3 =	simm.s32 $0x108;
	s8 =	sld [smem:$0x3FB0]  }
0x2e: {  	s3 =	simm.s32 @!p0 $0x1082;
	s9 =	sld [smem:$0x3FB1]  }
0x2f: {  	lr =	sadd.s32 s0, s3;
	s0 =	sld [smem:$0x3FA8]  }
0x30: {  	s3 =	sld [smem:$0x3FAB]  }
0x31: {  	[smem:$0x3FB4] =	sst s10  }
0x32: {  	s10 =	sld [smem:$0x3FB2];
	_ =	sdelay $0x3  }
0x33: {  	p0 =	seq.s32 s10, $0x1;
	s10 =	sld [smem:$0x3FB4];
	_ =	sdelay $0x3  }
0x34: {  	[smem:$0x3FB4] =	sst s10  }
0x35: {  	s10 =	sld [smem:$0x3FB3];
	_ =	sdelay $0x3  }
0x36: {  	p1 =	seq.s32 s10, $0x1;
	s10 =	sld [smem:$0x3FB4];
	_ =	sdelay $0x3  }
0x37: {  	[smem:$0x3FB4] =	sst s10  }
0x38: {  	s10 =	sld [smem:$0x3FB5]  }
0x39: {  	_ = 	snop;
	(pc) =	sbr.ind lr, $3  }
0x3a: {  	_ = 	snop  }
0x3b: {  	_ = 	snop  }
0x3c: {  	p2 =	seq.s32 s10, $0x1;
	s10 =	sld [smem:$0x3FB4]  }
0x3d: {  	_ =	shalt  }
0x3e: {  	_ =	shalt  }
0x3f: {  	_ =	shalt  }
0x40: {  	_ =	shalt  }
0x41: {  	_ =	shalt  }
0x42: {  	_ =	shalt  }
0x43: {  	_ =	shalt  }
0x44: {  	_ =	shalt  }
0x45: {  	_ =	shalt  }
0x46: {  	_ =	shalt  }
0x47: {  	_ =	shalt  }
0x48: {  	_ =	shalt  }
0x49: {  	_ =	shalt  }
0x4a: {  	_ =	shalt  }
0x4b: {  	_ =	shalt  }
0x4c: {  	_ =	shalt  }
0x4d: {  	_ =	shalt  }
0x4e: {  	_ =	shalt  }
0x4f: {  	_ =	shalt  }
0x50: {  	_ =	shalt  }
0x51: {  	_ =	shalt  }
0x52: {  	_ =	shalt  }
0x53: {  	_ =	shalt  }
0x54: {  	_ =	shalt  }
0x55: {  	_ =	shalt  }
0x56: {  	_ =	shalt  }
0x57: {  	_ =	shalt  }
0x58: {  	_ =	shalt  }
0x59: {  	_ =	shalt  }
0x5a: {  	_ =	shalt  }
0x5b: {  	_ =	shalt  }
0x5c: {  	_ =	shalt  }
0x5d: {  	_ =	shalt  }
0x5e: {  	_ =	shalt  }
0x5f: {  	_ =	shalt  }
0x60: {  	_ =	shalt  }
0x61: {  	_ =	shalt  }
0x62: {  	_ =	shalt  }
0x63: {  	_ =	shalt  }
0x64: {  	_ =	shalt  }
0x65: {  	_ =	shalt  }
0x66: {  	_ =	shalt  }
0x67: {  	_ =	shalt  }
0x68: {  	_ =	shalt  }
0x69: {  	_ =	shalt  }
0x6a: {  	_ =	shalt  }
0x6b: {  	_ =	shalt  }
0x6c: {  	_ =	shalt  }
0x6d: {  	_ =	shalt  }
0x6e: {  	_ =	shalt  }
0x6f: {  	_ =	shalt  }
0x70: {  	_ =	shalt  }
0x71: {  	_ =	shalt  }
0x72: {  	_ =	shalt  }
0x73: {  	_ =	shalt  }
0x74: {  	_ =	shalt  }
0x75: {  	_ =	shalt  }
0x76: {  	_ =	shalt  }
0x77: {  	_ =	shalt  }
0x78: {  	_ =	shalt  }
0x79: {  	_ =	shalt  }
0x7a: {  	_ =	shalt  }
0x7b: {  	_ =	shalt  }
0x7c: {  	_ =	shalt  }
0x7d: {  	_ =	shalt  }
0x7e: {  	_ =	shalt  }
0x7f: {  	_ =	shalt  }
0x80: {  	_ =	shalt  }
0x81: {  	_ =	shalt  }
0x82: {  	_ =	shalt  }
0x83: {  	_ =	shalt  }
0x84: {  	_ =	shalt  }
0x85: {  	_ =	shalt  }
0x86: {  	_ =	shalt  }
0x87: {  	_ =	shalt  }
.Lfunc_end0:
.L_simem_size_0:
called_computation.2_lowered:
.L_overlay_start_0:
0x88: {  	s2 =	sld [smem:$0x3FD9]  }
0x89: {  	s3 =	sld [smem:$0x3FFE];
	_ =	sdelay $0x1  }
0x8a: {  	s1 =	srdreg.scid  }
0x8b: {  	s0 =	sand.u32 $0x1, s1  }
0x8c: {  	s16 =	sshll.u32 s0, $0xA;
	s2 =	sadd.s32 s3, s2  }
0x8d: {  	s2 =	sadd.s32 s2, s16  }
0x8e: {  	[smem:$0x3FC0] =	sst s2  }
0x8f: {  	_ = 	snop  }
0x90: {  	(tm) =	ssettm $0x1  }
0x91: {  	s17 =	sld [smem:$0x3FFB];
	_ =	sdelay $0x3  }
0x92: {  	_ =	strace s17  }
0x93: {  	s2 =	sld [smem:$0x3FFC];
	_ =	sdelay $0x3  }
0x94: {  	_ =	strace s2  }
0x95: {  	s2 =	sld [smem:$0x3FFD];
	_ =	sdelay $0x3  }
0x96: {  	_ =	strace s2  }
0x97: {  	_ =	strace $0x8FFFFFFF  }
0x98: {  	s18 =	sld [smem:$0x3FDB];
	_ =	sdelay $0x1  }
0x99: {  	s19 =	simm.s32 $_scs_section_size  }
0x9a: {  	s4 =	simm.s32 $_size__tile_overlayer_lowered;
	s5 =	simm.s32 $_tile_overlayer_lowered  }
0x9b: {  	s22 =	simm.s32 $0x1BFF;
	s21 =	sshll.u32 s5, $0x1;
	s2 =	sadd.s32 s19, s18  }
0x9c: {  	s6 =	simm.s32 $0x0;
	s20 =	sshll.u32 s4, $0x1;
	s4 =	sadd.s32 s21, s2  }
0x9d: {  	[timem:s6], [sflag:s22] =	dma.local [hbm:s4], s20  }
0x9e: {  	_ =	swait.ge [sflag:s22], s20  }
0x9f: {  	s3 =	ssub.s32 $0x0, s20;
	[sflag:s22] =	ssyncset.done $0x0  }
0xa0: {  	[sflag:s22] =	ssyncadd.s32 s3;
	_ =	sdelay $0x1  }
0xa1: {  	s23 =	simm.s32 $0x1B8B  }
0xa2: {  	_ =	swait.ge [sflag:s23], $0x1  }
0xa3: {  	[sflag:s23] =	ssyncset.done $0x0  }
0xa4: {  	s25 =	simm.s32 $0x1B8E;
	s24 =	sld [smem:$0x3FFE];
	[sflag:s23] =	ssyncadd.s32 $0xFFFFFFFF  }
0xa5: {  	s26 =	simm.s32 $execute0_lowered;
	[smem:$0x3FD2] =	sst s25  }
0xa6: {  	s4 =	sshll.u32 s26, $0x1;
	_ =	strace $0x8000004C;
	[dreg:$0x1] =	wrdreg $0xFFFFFFFF  }
0xa7: {  	s28 =	simm.s32 $_size_execute0_lowered;
	s2 =	sadd.s32 s2, s4;
	[dreg:$0x0] =	wrdreg $0x0  }
0xa8: {  	s4 =	sshll.u32 s28, $0x1;
	[dreg:$0x2] =	wrdreg s2  }
0xa9: {  	[dreg:$0x3] =	wrdreg s4  }
0xaa: {  	[dreg:$0x4] =	wrdreg $0xC0  }
0xab: {  	_ =	task [dreg:s6], $0x5FFFF  }
0xac: {  	[dreg:$0x1] =	wrdreg $0xFFFFFFFF  }
0xad: {  	[dreg:$0x0] =	wrdreg $0x60  }
0xae: {  	[dreg:$0x2] =	wrdreg s24  }
0xaf: {  	[dreg:$0x3] =	wrdreg $0x8B000  }
0xb0: {  	[dreg:$0x4] =	wrdreg $0x9  }
0xb1: {  	_ =	task.clear_ibuf [dreg:s6], $0x5FFFF;
	_ =	strace $0x9000004C  }
0xb2: {  	s29 =	simm.s32 $0x9;
	_ =	strace $0x8000004E  }
0xb3: {  	_ =	swait.ge [sflag:s29], $0x1  }
0xb4: {  	[sflag:s29] =	ssyncadd.s32 $0xFFFFFFFF  }
0xb5: {  	_ =	strace $0x9000004E  }
0xb6: {  	_ =	sfence  }
0xb7: {  	s30 =	sld [smem:$0x0];
	_ =	sdelay $0x2  }
0xb8: {  	s31 =	sshll.u32 s1, $0xD;
	s1 =	sshrl.u32 s1, $0x2  }
0xb9: {  	s3 =	sand.u32 $0x4000, s31;
	s1 =	sadd.s32 s1, s30  }
0xba: {  	s0 =	sor.u32 s3, s0;
	s1 =	sshll.u32 s1, $0x11  }
0xbb: {  	s0 =	sor.u32 s1, s0  }
0xbc: {  	s0 =	sadd.s32 $0x8F2B, s0  }
0xbd: {  	[sflag:s0] =	ssyncadd.remote.s32 $0x1  }
0xbe: {  	_ =	sfence.sel $0xFFFF  }
0xbf: {  	[dreg:$0x0] =	wrdreg $0xFFFFFFFF;
	(pc) =	sbr.abs _section_cstart, $3  }
0xc0: {  	[dreg:$0x1] =	wrdreg $0xFFFFFFFF  }
0xc1: {  	_ =	task.clear_ibuf [dreg:s6], $0x2FFFF;
	_ =	strace $0x9FFFFFFF  }
0xc2: {  	(tm) =	ssettm $0x7FFFFFFF  }
0xc3: {  	_ =	shalt  }
tec
execute0_lowered:
.L_overlay_start_1:
0x0: {  	(tag) =	ssettag $0x1  }
0x1: {  	s0 =	rddreg [dreg:$0x0]  }
0x2: {  	s2 =	rddreg [dreg:$0x1]  }
0x3: {  	s12 =	stileid.u32;
	s1 =	srdreg.scid  }
0x4: {  	s3 =	simm.s32 $0x0;
	s28 =	simm.s32 $0x1;
	s29 =	simm.s32 $0x3  }
0x5: {  	s30 =	simm.s32 $0x2;
	s31 =	simm.s32 $0x4;
	s6 =	smul.u32 $0x14000, s12  }
0x6: {  	s1 =	sand.u32 $0x1, s1;
	[smem:$0x7FF] =	sst s3;
	s10 =	smul.u32 $0x50000, s12  }
0x7: {  	s4 =	sadd.s32 $0xBE00, s0;
	s5 =	sadd.s32 $0x2000, s0;
	s19 =	smul.u32 $0x2710, s12  }
0x8: {  	s18 =	sshll.u32 s12, $0x6;
	s7 =	smul.u32 $0x140000, s1;
	_ =	strace $0x8000004D  }
0x9: {  	s9 =	ssub.s32 $0x2, s1;
	s11 =	sshll.u32 s1, $0x4;
	s1 =	smul.u32 $0x27100, s1  }
0xa: {  	s8 =	sshrl.u32 s6, $0x3;
	s15 =	sshrl.u32 s9, $0x1;
	s11 =	sor.u32 s12, s11  }
0xb: {  	s16 =	sshrl.u32 s10, $0x2;
	s7 =	sadd.s32 s6, s7;
	s6 =	sadd.s32 $0x15C00, s0  }
0xc: {  	s8 =	sadd.s32 s8, s0;
	s17 =	smul.u32 $0x2710, s11;
	s1 =	sadd.s32 s19, s1  }
0xd: {  	s7 =	sshrl.u32 s7, $0x3;
	s8 =	sadd.s32 $0x3DC00, s8;
	s24 =	sadd.s32 $0x180, s1  }
0xe: {  	s19 =	sadd.s32 $0x100, s1;
	s1 =	simm.s32 $0x8280;
	s0 =	sadd.s32 s7, s0  }
0xf: {  	s7 =	ssub.s32 s9, s15;
	s9 =	sadd.s32 s16, s2;
	[dreg:$0x3] =	wrdreg s8  }
0x10: {  	s10 =	sshrl.u32 s17, $0x3;
	s8 =	sor.u32 $0x1C05, s18;
	s26 =	sshrl.u32 s24, $0x3  }
0x11: {  	s24 =	simm.s32 $0x200;
	s20 =	sadd.s32 s4, s10;
	s21 =	sadd.s32 $0x10, s10  }
0x12: {  	s13 =	sadd.s32 s5, s10;
	s10 =	sadd.s32 $0x4E0, s10;
	s0 =	sadd.s32 $0x65C00, s0  }
0x13: {  	s16 =	smax.u32 s7, $0x1;
	s17 =	sadd.s32 s26, s5;
	[dreg:$0x4] =	wrdreg s20  }
0x14: {  	s18 =	sadd.s32 s26, s4;
	s26 =	simm.s32 $0x4200;
	[dreg:$0x5] =	wrdreg s13  }
0x15: {  	s7 =	simm.s32 $0x10;
	s22 =	sadd.s32 s4, s21;
	[dreg:$0xa] =	wrdreg s0  }
0x16: {  	s23 =	sadd.s32 s5, s21;
	s25 =	sadd.s32 s4, s10;
	[dreg:$0x6] =	wrdreg s22  }
0x17: {  	s10 =	sadd.s32 s5, s10;
	s20 =	sshrl.u32 s9, $0x3;
	[dreg:$0x7] =	wrdreg s23  }
0x18: {  	s21 =	simm.s32 $0x5;
	s0 =	simm.s32 $0x8200;
	[dreg:$0x8] =	wrdreg s25  }
0x19: {  	s9 =	simm.s32 $0x8300;
	[dreg:$0x9] =	wrdreg s10;
	s22 =	simm.s32 $0x100  }
0x1a: {  	s23 =	simm.s32 $0x80;
	s25 =	simm.s32 $0x180;
	s10 =	simm.s32 $0x0  }
.LBB2_1:
0x1b: {  	s11 =	rddreg [dreg:$0x3]  }
0x1c: {  	[spmem:s20], [sflag:s8] =	dma.local [hbm:s11], $0x2800  }
0x1d: {  	_ =	swait.ge [sflag:s21], $0x2800  }
0x1e: {  	[sflag:s21] =	ssyncset.done $0x0  }
0x1f: {  	[sflag:s21] =	ssyncadd.s32 $0xFFFFD800  }
0x20: {  	[bflag:$0x0] =	sbarrier.arrive $0xFFFF  }
0x21: {  	s13 =	rddreg [dreg:$0x4]  }
0x22: {  	[tilespmem:s3], [sflag:$0x5] =	stream.linear.gather [hbm4b:s13+s3], $0x80, $0x38;
	[tilespmem:$0x1CB00] =	vst v63  }
0x23: {  	_ =	swait.ge [sflag:s21], $0x80  }
0x24: {  	[sflag:s21] =	ssyncset.done $0x0  }
0x25: {  	s14 =	rddreg [dreg:$0x5];
	[sflag:s21] =	ssyncadd.s32 $0xFFFFFF80  }
0x26: {  	[tilespmem:s22], [sflag:$0x5] =	stream.linear.gather [hbm4b:s14+s3], $0x80, $0x38;
	[tilespmem:$0x1CB00] =	vst v63  }
0x27: {  	_ =	swait.ge [sflag:s21], $0x80  }
0x28: {  	[sflag:s21] =	ssyncset.done $0x0  }
0x29: {  	[sflag:s21] =	ssyncadd.s32 $0xFFFFFF80  }
0x2a: {  	[tilespmem:s24], [sflag:$0x1] =	stream.indirect.gather [hbm4b:s6+s23], $0x80, s3, s23, $0xb8;
	[tilespmem:$0x1CB00] =	vst v63  }
0x2b: {  	s15 =	rddreg [dreg:$0x6]  }
0x2c: {  	[tilespmem:s23], [sflag:$0x5] =	stream.linear.gather [hbm4b:s15+s3], $0x80, $0x38;
	[tilespmem:$0x1CB00] =	vst v63  }
0x2d: {  	_ =	swait.ge [sflag:s21], $0x80  }
0x2e: {  	[sflag:s21] =	ssyncset.done $0x0  }
0x2f: {  	s12 =	rddreg [dreg:$0x7];
	[sflag:s21] =	ssyncadd.s32 $0xFFFFFF80  }
0x30: {  	[tilespmem:s25], [sflag:$0x5] =	stream.linear.gather [hbm4b:s12+s3], $0x80, $0x38;
	[tilespmem:$0x1CB00] =	vst v63  }
0x31: {  	_ =	swait.ge [sflag:s21], $0x80  }
0x32: {  	[sflag:s21] =	ssyncset.done $0x0  }
0x33: {  	[sflag:s21] =	ssyncadd.s32 $0xFFFFFF80  }
0x34: {  	[tilespmem:s26], [sflag:$0x2] =	stream.indirect.gather [hbm4b:s6+s23], $0x80, s23, s23, $0xb8;
	[tilespmem:$0x1CB00] =	vst v63  }
0x35: {  	_ =	swait.ge [sflag:s28], $0x4000  }
0x36: {  	[sflag:s28] =	ssyncset.done $0x0  }
0x37: {  	[sflag:s28] =	ssyncadd.s32 $0xFFFFC000  }
0x38: {  	[spmem:s2] =	stream.indirect.scatter.add.f32 [tilespmem:s24], [sflag:$0x3], $0x80, s22, s23, $0xb8;
	[tilespmem:$0x1CB00] =	vst v63  }
0x39: {  	_ =	swait.ge [sflag:s29], $0x4000  }
0x3a: {  	s13 =	sshrl.u32 s19, $0x3;
	[sflag:s29] =	ssyncset.done $0x0  }
0x3b: {  	s12 =	sadd.s32 s4, s13;
	[sflag:s29] =	ssyncadd.s32 $0xFFFFC000  }
0x3c: {  	[tilespmem:s3], [sflag:$0x5] =	stream.linear.gather [hbm4b:s12+s3], $0x80, $0x38;
	[tilespmem:$0x1CB00] =	vst v63  }
0x3d: {  	_ =	swait.ge [sflag:s21], $0x80  }
0x3e: {  	[sflag:s21] =	ssyncset.done $0x0  }
0x3f: {  	s11 =	sadd.s32 s5, s13;
	[sflag:s21] =	ssyncadd.s32 $0xFFFFFF80  }
0x40: {  	[tilespmem:s22], [sflag:$0x5] =	stream.linear.gather [hbm4b:s11+s3], $0x80, $0x38;
	[tilespmem:$0x1CB00] =	vst v63  }
0x41: {  	_ =	swait.ge [sflag:s21], $0x80  }
0x42: {  	[sflag:s21] =	ssyncset.done $0x0  }
0x43: {  	[sflag:s21] =	ssyncadd.s32 $0xFFFFFF80  }
0x44: {  	[tilespmem:s24], [sflag:$0x1] =	stream.indirect.gather [hbm4b:s6+s23], $0x80, s3, s23, $0xb8;
	[tilespmem:$0x1CB00] =	vst v63  }
0x45: {  	_ =	swait.ge [sflag:s30], $0x4000  }
0x46: {  	[sflag:s30] =	ssyncset.done $0x0  }
0x47: {  	[sflag:s30] =	ssyncadd.s32 $0xFFFFC000  }
0x48: {  	[spmem:s2] =	stream.indirect.scatter.add.f32 [tilespmem:s26], [sflag:$0x4], $0x80, s25, s23, $0xb8;
	[tilespmem:$0x1CB00] =	vst v63  }
0x49: {  	_ =	swait.ge [sflag:s31], $0x4000  }
0x4a: {  	[sflag:s31] =	ssyncset.done $0x0  }
0x4b: {  	s14 =	sadd.s32 $0x0, s18;
	[sflag:s31] =	ssyncadd.s32 $0xFFFFC000  }
0x4c: {  	[tilespmem:s23], [sflag:$0x5] =	stream.linear.gather [hbm4b:s14+s3], $0x80, $0x38;
	[tilespmem:$0x1CB00] =	vst v63  }
0x4d: {  	_ =	swait.ge [sflag:s21], $0x80  }
0x4e: {  	[sflag:s21] =	ssyncset.done $0x0  }
0x4f: {  	s15 =	sadd.s32 $0x0, s17;
	[sflag:s21] =	ssyncadd.s32 $0xFFFFFF80  }
0x50: {  	[tilespmem:s25], [sflag:$0x5] =	stream.linear.gather [hbm4b:s15+s3], $0x80, $0x38;
	[tilespmem:$0x1CB00] =	vst v63  }
0x51: {  	_ =	swait.ge [sflag:s21], $0x80  }
0x52: {  	[sflag:s21] =	ssyncset.done $0x0  }
0x53: {  	s12 =	sadd.s32 $0x100, s19;
	s11 =	simm.s32 $0x20;
	[sflag:s21] =	ssyncadd.s32 $0xFFFFFF80  }
.LBB2_2:
0x54: {  	[tilespmem:s26], [sflag:$0x2] =	stream.indirect.gather [hbm4b:s6+s23], $0x80, s23, s23, $0xb8;
	[tilespmem:$0x1CB00] =	vst v63  }
0x55: {  	s13 =	smov.u32 s11  }
0x56: {  	p0 =	sne.s32 s11, $0x4A0;
	s11 =	sadd.s32 $0x20, s11;
	_ =	swait.ge [sflag:s28], $0x4000  }
0x57: {  	[sflag:s28] =	ssyncset.done $0x0  }
0x58: {  	[sflag:s28] =	ssyncadd.s32 $0xFFFFC000  }
0x59: {  	[spmem:s2] =	stream.indirect.scatter.add.f32 [tilespmem:s24], [sflag:$0x3], $0x80, s22, s23, $0xb8;
	[tilespmem:$0x1CB00] =	vst v63  }
0x5a: {  	_ =	swait.ge [sflag:s29], $0x4000  }
0x5b: {  	s14 =	sshrl.u32 s12, $0x3;
	[sflag:s29] =	ssyncset.done $0x0  }
0x5c: {  	s15 =	sadd.s32 s4, s14;
	[sflag:s29] =	ssyncadd.s32 $0xFFFFC000  }
0x5d: {  	[tilespmem:s3], [sflag:$0x5] =	stream.linear.gather [hbm4b:s15+s3], $0x80, $0x38;
	[tilespmem:$0x1CB00] =	vst v63  }
0x5e: {  	_ =	swait.ge [sflag:s21], $0x80  }
0x5f: {  	[sflag:s21] =	ssyncset.done $0x0  }
0x60: {  	s14 =	sadd.s32 s5, s14;
	[sflag:s21] =	ssyncadd.s32 $0xFFFFFF80  }
0x61: {  	[tilespmem:s22], [sflag:$0x5] =	stream.linear.gather [hbm4b:s14+s3], $0x80, $0x38;
	[tilespmem:$0x1CB00] =	vst v63  }
0x62: {  	_ =	swait.ge [sflag:s21], $0x80  }
0x63: {  	[sflag:s21] =	ssyncset.done $0x0  }
0x64: {  	[sflag:s21] =	ssyncadd.s32 $0xFFFFFF80  }
0x65: {  	[tilespmem:s24], [sflag:$0x1] =	stream.indirect.gather [hbm4b:s6+s23], $0x80, s3, s23, $0xb8;
	[tilespmem:$0x1CB00] =	vst v63  }
0x66: {  	_ =	swait.ge [sflag:s30], $0x4000  }
0x67: {  	[sflag:s30] =	ssyncset.done $0x0  }
0x68: {  	[sflag:s30] =	ssyncadd.s32 $0xFFFFC000  }
0x69: {  	[spmem:s2] =	stream.indirect.scatter.add.f32 [tilespmem:s26], [sflag:$0x4], $0x80, s25, s23, $0xb8;
	[tilespmem:$0x1CB00] =	vst v63  }
0x6a: {  	_ =	swait.ge [sflag:s31], $0x4000  }
0x6b: {  	[sflag:s31] =	ssyncset.done $0x0  }
0x6c: {  	s14 =	sadd.s32 s13, s18;
	[sflag:s31] =	ssyncadd.s32 $0xFFFFC000  }
0x6d: {  	[tilespmem:s23], [sflag:$0x5] =	stream.linear.gather [hbm4b:s14+s3], $0x80, $0x38;
	[tilespmem:$0x1CB00] =	vst v63  }
0x6e: {  	_ =	swait.ge [sflag:s21], $0x80  }
0x6f: {  	[sflag:s21] =	ssyncset.done $0x0  }
.Ltmp0:
0x70: {  	s13 =	sadd.s32 s13, s17;
	[sflag:s21] =	ssyncadd.s32 $0xFFFFFF80;
	(pc) =	sbr.rel @p0 .LBB2_2-.Ltmp0, $4  }
0x71: {  	[tilespmem:s25], [sflag:$0x5] =	stream.linear.gather [hbm4b:s13+s3], $0x80, $0x38;
	[tilespmem:$0x1CB00] =	vst v63  }
0x72: {  	_ =	swait.ge [sflag:s21], $0x80  }
0x73: {  	[sflag:s21] =	ssyncset.done $0x0  }
0x74: {  	s12 =	sadd.s32 $0x100, s12;
	[sflag:s21] =	ssyncadd.s32 $0xFFFFFF80  }
0x75: {  	[tilespmem:s26], [sflag:$0x2] =	stream.indirect.gather [hbm4b:s6+s23], $0x80, s23, s23, $0xb8;
	[tilespmem:$0x1CB00] =	vst v63  }
0x76: {  	_ =	swait.ge [sflag:s28], $0x4000  }
0x77: {  	[sflag:s28] =	ssyncset.done $0x0  }
0x78: {  	[sflag:s28] =	ssyncadd.s32 $0xFFFFC000  }
0x79: {  	[spmem:s2] =	stream.indirect.scatter.add.f32 [tilespmem:s24], [sflag:$0x3], $0x80, s22, s23, $0xb8;
	[tilespmem:$0x1CB00] =	vst v63  }
0x7a: {  	_ =	swait.ge [sflag:s30], $0x4000  }
0x7b: {  	[sflag:s30] =	ssyncset.done $0x0  }
0x7c: {  	[sflag:s30] =	ssyncadd.s32 $0xFFFFC000  }
0x7d: {  	[spmem:s2] =	stream.indirect.scatter.add.f32 [tilespmem:s26], [sflag:$0x4], $0x80, s25, s23, $0xb8;
	[tilespmem:$0x1CB00] =	vst v63  }
0x7e: {  	_ =	swait.ge [sflag:s29], $0x4000  }
0x7f: {  	[sflag:s29] =	ssyncset.done $0x0  }
0x80: {  	[sflag:s29] =	ssyncadd.s32 $0xFFFFC000  }
0x81: {  	_ =	swait.ge [sflag:s31], $0x4000  }
0x82: {  	[sflag:s31] =	ssyncset.done $0x0  }
0x83: {  	s11 =	rddreg [dreg:$0x8];
	[sflag:s31] =	ssyncadd.s32 $0xFFFFC000  }
0x84: {  	[tilespmem:s0], [sflag:$0x5] =	stream.linear.gather [hbm4b:s11+s3], $0x10, $0x38;
	[tilespmem:$0x1CB00] =	vst v63  }
0x85: {  	_ =	swait.ge [sflag:s21], $0x10  }
0x86: {  	[sflag:s21] =	ssyncset.done $0x0  }
0x87: {  	s14 =	rddreg [dreg:$0x9];
	[sflag:s21] =	ssyncadd.s32 $0xFFFFFFF0  }
0x88: {  	[tilespmem:s1], [sflag:$0x5] =	stream.linear.gather [hbm4b:s14+s3], $0x10, $0x38;
	[tilespmem:$0x1CB00] =	vst v63  }
0x89: {  	_ =	swait.ge [sflag:s21], $0x10  }
0x8a: {  	[sflag:s21] =	ssyncset.done $0x0  }
0x8b: {  	[sflag:s21] =	ssyncadd.s32 $0xFFFFFFF0  }
0x8c: {  	[tilespmem:s9], [sflag:$0x5] =	stream.indirect.gather [hbm4b:s6+s7], $0x80, s0, s7, $0xb8;
	[tilespmem:$0x1CB00] =	vst v63  }
0x8d: {  	_ =	swait.ge [sflag:s21], $0x800  }
0x8e: {  	[sflag:s21] =	ssyncset.done $0x0  }
0x8f: {  	[sflag:s21] =	ssyncadd.s32 $0xFFFFF800  }
0x90: {  	[spmem:s2] =	stream.indirect.scatter.add.f32 [tilespmem:s9], [sflag:$0x5], $0x80, s1, s7, $0xb8;
	[tilespmem:$0x1CB00] =	vst v63  }
0x91: {  	_ =	swait.ge [sflag:s21], $0x800  }
0x92: {  	[sflag:s21] =	ssyncset.done $0x0  }
0x93: {  	s10 =	sadd.s32 $0x1, s10;
	[sflag:s21] =	ssyncadd.s32 $0xFFFFF800  }
0x94: {  	p0 =	sne.s32 s10, s16;
	[bflag:$0x0] =	sbarrier.arrive $0xFFFF  }
.Ltmp1:
0x95: {  	s15 =	rddreg [dreg:$0xa];
	(pc) =	sbr.rel @p0 .LBB2_1-.Ltmp1, $4  }
0x96: {  	[hbm:s15], [sflag:s8] =	dma.local [spmem:s20], $0x2800  }
0x97: {  	_ =	swait.ge [sflag:s21], $0x2800  }
0x98: {  	[sflag:s21] =	ssyncset.done $0x0  }
0x99: {  	[sflag:s21] =	ssyncadd.s32 $0xFFFFD800  }
0x9a: {  	_ =	sfence.sel $0x180000  }
0x9b: {  	[bflag:$0x0] =	sbarrier.arrive $0xFFFF  }
0x9c: {  	_ =	strace $0x9000004D  }
0x9d: {  	s0 =	stileid.u32;
	[bflag:$0x2] =	sbarrier.arrive $0xFFFF  }
0x9e: {  	p0 =	sne.s32 s0, $0x0;
	s0 =	rddreg [dreg:$0x2]  }
0x9f: {  	s0 =	sadd.s32 @!p0 $0x100000, s0  }
0xa0: {  	[sflag:s0] =	ssyncadd.tile.s32 @!p0 $0x1;
	_ =	shalt  }
.Lfunc_end2:
_tile_overlayer_lowered:
.L_overlay_start_2:
0xa1: {  	(tag) =	ssettag $0x2  }
0xa2: {  	s0 =	rddreg [dreg:$0x0];
	s2 =	stileid.u32  }
0xa3: {  	s1 =	rddreg [dreg:$0x1];
	p0 =	sne.s32 s2, $0x0  }
0xa4: {  	s3 =	rddreg [dreg:$0x2];
	[bflag:$0x3] =	sbarrier.arrive $0xFFFF;
	s2 =	simm.s32 @!p0 $0x1C05  }
0xa5: {  	[timem:s3], [sflag:s2] =	dma.local @!p0 [hbm:s0], s1  }
0xa6: {  	s0 =	simm.s32 @!p0 $0x5  }
0xa7: {  	_ =	swait.ge @!p0 [sflag:s0], s1  }
0xa8: {  	s1 =	ssub.s32 @!p0 $0x0, s1;
	[sflag:s0] =	ssyncset.done @!p0 $0x0  }
0xa9: {  	[sflag:s0] =	ssyncadd.s32 @!p0 s1  }
0xaa: {  	[bflag:$0x3] =	sbarrier.arrive $0xFFFF  }
0xab: {  	_ =	shalt  }

// kernel: kernel.8.cloned.1.call-start
scs
__scs_entry_jumppad:
0x0: {  	(pc) =	sbr.rel $0x88, $3  }
0x1: {  	(tag) =	ssettag $0x0;
	lr =	simm.s32 $0x1  }
0x2: {  	[smem:$0x3F99] =	sst lr;
	_ =	strace $0xD0000000  }
0x3: {  	_ = 	snop  }
0x4: {  	_ = 	snop  }
0x5: {  	_ = 	snop  }
0x6: {  	_ = 	snop  }
0x7: {  	_ = 	snop  }
__scs_overlays_trampoline_lowered:
0x8: {  	[smem:$0x3FA8] =	sst s0  }
0x9: {  	[smem:$0x3FA9] =	sst s1  }
0xa: {  	[smem:$0x3FAA] =	sst s2  }
0xb: {  	[smem:$0x3FAB] =	sst s3  }
0xc: {  	[smem:$0x3FAC] =	sst s4  }
0xd: {  	[smem:$0x3FAD] =	sst s5  }
0xe: {  	[smem:$0x3FAE] =	sst s6  }
0xf: {  	[smem:$0x3FAF] =	sst s7  }
0x10: {  	[smem:$0x3FB0] =	sst s8  }
0x11: {  	[smem:$0x3FB1] =	sst s9;
	s0 =	simm.s32 @!p0 $0x0  }
0x12: {  	s1 =	sld [smem:$0x3F97];
	s0 =	simm.s32 @p0 $0x1  }
0x13: {  	[smem:$0x3FB2] =	sst s0;
	s0 =	simm.s32 @!p1 $0x0  }
0x14: {  	s2 =	sld [smem:$0x3F96];
	s0 =	simm.s32 @p1 $0x1  }
0x15: {  	[smem:$0x3FB3] =	sst s0;
	s0 =	simm.s32 @!p2 $0x0  }
0x16: {  	s3 =	sld [smem:$0x3FDB];
	s0 =	simm.s32 @p2 $0x1  }
0x17: {  	s4 =	simm.s32 $0x1BF5;
	[smem:$0x3FB5] =	sst s0  }
0x18: {  	s0 =	sld [smem:$0x3F98];
	_ =	swait.ge [sflag:s4], $0x0  }
0x19: {  	s7 =	sld [smem:$0x3F99]  }
0x1a: {  	s8 =	sadd.s32 $0xFFFFE003, lr  }
0x1b: {  	s9 =	sadd.s32 $0xFFFFFEF7, lr;
	s5 =	simm.s32 $0xFFFFFFFF;
	p2 =	slt.u32 s8, $0xFFFFF086  }
0x1c: {  	p1 =	slt.u32 s9, $0xF7A;
	s5 =	simm.s32 @!p2 $0x0  }
0x1d: {  	s5 =	simm.s32 @p1 $0x1;
	p0 =	seq.s32 s7, s2  }
0x1e: {  	s7 =	smul.u32 @!p0 $0xF7A, s2;
	p2 =	seq.s32 @!p0 s5, $0x0  }
0x1f: {  	s9 =	smul.u32 $0xF7A, s1;
	s8 =	simm.s32 @!p0 $0x1BF5;
	p2 =	por !p2, p0  }
0x20: {  	[sflag:s8] =	ssyncset.s32 @!p0 $0xFFFFF086;
	s6 =	sadd.s32 @!p0 s3, s7;
	s7 =	simm.s32 @!p0 $0x108  }
0x21: {  	s3 =	sadd.s32 s3, s9;
	s6 =	sadd.s32 @!p0 $0x88, s6;
	s7 =	simm.s32 @p2 $0x1082  }
0x22: {  	[simem:s7], [sflag:s8] =	dma.local @!p0 [hbm:s6], $0xF7A  }
0x23: {  	s9 =	sor.u32 $0xD0000000, s2;
	s6 =	simm.s32 $0x108;
	_ =	swait.ge @!p0 [sflag:s8], $0x0  }
0x24: {  	s3 =	sadd.s32 $0x88, s3;
	s6 =	simm.s32 @!p1 $0x1082;
	[sflag:s4] =	ssyncset.s32 $0xFFFFF086  }
0x25: {  	[simem:s6], [sflag:s4] =	dma.local [hbm:s3], $0xF7A  }
0x26: {  	[smem:$0x3F99] =	sst s1;
	(tag) =	ssettag s2;
	_ =	strace s9  }
0x27: {  	s1 =	sld [smem:$0x3FA9]  }
0x28: {  	s2 =	sld [smem:$0x3FAA]  }
0x29: {  	s4 =	sld [smem:$0x3FAC]  }
0x2a: {  	p0 =	seq.s32 s5, $0x0;
	s5 =	sld [smem:$0x3FAD]  }
0x2b: {  	s6 =	sld [smem:$0x3FAE]  }
0x2c: {  	s7 =	sld [smem:$0x3FAF]  }
0x2d: {  	s3 =	simm.s32 $0x108;
	s8 =	sld [smem:$0x3FB0]  }
0x2e: {  	s3 =	simm.s32 @!p0 $0x1082;
	s9 =	sld [smem:$0x3FB1]  }
0x2f: {  	lr =	sadd.s32 s0, s3;
	s0 =	sld [smem:$0x3FA8]  }
0x30: {  	s3 =	sld [smem:$0x3FAB]  }
0x31: {  	[smem:$0x3FB4] =	sst s10  }
0x32: {  	s10 =	sld [smem:$0x3FB2];
	_ =	sdelay $0x3  }
0x33: {  	p0 =	seq.s32 s10, $0x1;
	s10 =	sld [smem:$0x3FB4];
	_ =	sdelay $0x3  }
0x34: {  	[smem:$0x3FB4] =	sst s10  }
0x35: {  	s10 =	sld [smem:$0x3FB3];
	_ =	sdelay $0x3  }
0x36: {  	p1 =	seq.s32 s10, $0x1;
	s10 =	sld [smem:$0x3FB4];
	_ =	sdelay $0x3  }
0x37: {  	[smem:$0x3FB4] =	sst s10  }
0x38: {  	s10 =	sld [smem:$0x3FB5]  }
0x39: {  	_ = 	snop;
	(pc) =	sbr.ind lr, $3  }
0x3a: {  	_ = 	snop  }
0x3b: {  	_ = 	snop  }
0x3c: {  	p2 =	seq.s32 s10, $0x1;
	s10 =	sld [smem:$0x3FB4]  }
0x3d: {  	_ =	shalt  }
0x3e: {  	_ =	shalt  }
0x3f: {  	_ =	shalt  }
0x40: {  	_ =	shalt  }
0x41: {  	_ =	shalt  }
0x42: {  	_ =	shalt  }
0x43: {  	_ =	shalt  }
0x44: {  	_ =	shalt  }
0x45: {  	_ =	shalt  }
0x46: {  	_ =	shalt  }
0x47: {  	_ =	shalt  }
0x48: {  	_ =	shalt  }
0x49: {  	_ =	shalt  }
0x4a: {  	_ =	shalt  }
0x4b: {  	_ =	shalt  }
0x4c: {  	_ =	shalt  }
0x4d: {  	_ =	shalt  }
0x4e: {  	_ =	shalt  }
0x4f: {  	_ =	shalt  }
0x50: {  	_ =	shalt  }
0x51: {  	_ =	shalt  }
0x52: {  	_ =	shalt  }
0x53: {  	_ =	shalt  }
0x54: {  	_ =	shalt  }
0x55: {  	_ =	shalt  }
0x56: {  	_ =	shalt  }
0x57: {  	_ =	shalt  }
0x58: {  	_ =	shalt  }
0x59: {  	_ =	shalt  }
0x5a: {  	_ =	shalt  }
0x5b: {  	_ =	shalt  }
0x5c: {  	_ =	shalt  }
0x5d: {  	_ =	shalt  }
0x5e: {  	_ =	shalt  }
0x5f: {  	_ =	shalt  }
0x60: {  	_ =	shalt  }
0x61: {  	_ =	shalt  }
0x62: {  	_ =	shalt  }
0x63: {  	_ =	shalt  }
0x64: {  	_ =	shalt  }
0x65: {  	_ =	shalt  }
0x66: {  	_ =	shalt  }
0x67: {  	_ =	shalt  }
0x68: {  	_ =	shalt  }
0x69: {  	_ =	shalt  }
0x6a: {  	_ =	shalt  }
0x6b: {  	_ =	shalt  }
0x6c: {  	_ =	shalt  }
0x6d: {  	_ =	shalt  }
0x6e: {  	_ =	shalt  }
0x6f: {  	_ =	shalt  }
0x70: {  	_ =	shalt  }
0x71: {  	_ =	shalt  }
0x72: {  	_ =	shalt  }
0x73: {  	_ =	shalt  }
0x74: {  	_ =	shalt  }
0x75: {  	_ =	shalt  }
0x76: {  	_ =	shalt  }
0x77: {  	_ =	shalt  }
0x78: {  	_ =	shalt  }
0x79: {  	_ =	shalt  }
0x7a: {  	_ =	shalt  }
0x7b: {  	_ =	shalt  }
0x7c: {  	_ =	shalt  }
0x7d: {  	_ =	shalt  }
0x7e: {  	_ =	shalt  }
0x7f: {  	_ =	shalt  }
0x80: {  	_ =	shalt  }
0x81: {  	_ =	shalt  }
0x82: {  	_ =	shalt  }
0x83: {  	_ =	shalt  }
0x84: {  	_ =	shalt  }
0x85: {  	_ =	shalt  }
0x86: {  	_ =	shalt  }
0x87: {  	_ =	shalt  }
.Lfunc_end0:
.L_simem_size_0:
called_computation_lowered:
.L_overlay_start_0:
0x88: {  	s2 =	sld [smem:$0x3FD9]  }
0x89: {  	s3 =	sld [smem:$0x3FFE];
	_ =	sdelay $0x1  }
0x8a: {  	s1 =	srdreg.scid  }
0x8b: {  	s0 =	sand.u32 $0x1, s1  }
0x8c: {  	s16 =	sshll.u32 s0, $0xA;
	s2 =	sadd.s32 s3, s2  }
0x8d: {  	s2 =	sadd.s32 s2, s16  }
0x8e: {  	[smem:$0x3FC0] =	sst s2  }
0x8f: {  	_ = 	snop  }
0x90: {  	(tm) =	ssettm $0x1  }
0x91: {  	s17 =	sld [smem:$0x3FFB];
	_ =	sdelay $0x3  }
0x92: {  	_ =	strace s17  }
0x93: {  	s2 =	sld [smem:$0x3FFC];
	_ =	sdelay $0x3  }
0x94: {  	_ =	strace s2  }
0x95: {  	s2 =	sld [smem:$0x3FFD];
	_ =	sdelay $0x3  }
0x96: {  	_ =	strace s2  }
0x97: {  	_ =	strace $0x8FFFFFFF  }
0x98: {  	s18 =	sld [smem:$0x3FDB];
	_ =	sdelay $0x1  }
0x99: {  	s19 =	simm.s32 $_scs_section_size  }
0x9a: {  	s4 =	simm.s32 $_size__tile_overlayer_lowered;
	s5 =	simm.s32 $_tile_overlayer_lowered  }
0x9b: {  	s22 =	simm.s32 $0x1BFF;
	s21 =	sshll.u32 s5, $0x1;
	s2 =	sadd.s32 s19, s18  }
0x9c: {  	s6 =	simm.s32 $0x0;
	s20 =	sshll.u32 s4, $0x1;
	s4 =	sadd.s32 s21, s2  }
0x9d: {  	[timem:s6], [sflag:s22] =	dma.local [hbm:s4], s20  }
0x9e: {  	_ =	swait.ge [sflag:s22], s20  }
0x9f: {  	s3 =	ssub.s32 $0x0, s20;
	[sflag:s22] =	ssyncset.done $0x0  }
0xa0: {  	[sflag:s22] =	ssyncadd.s32 s3;
	_ =	sdelay $0x1  }
0xa1: {  	s23 =	simm.s32 $0x1B8B  }
0xa2: {  	_ =	swait.ge [sflag:s23], $0x1  }
0xa3: {  	[sflag:s23] =	ssyncset.done $0x0  }
0xa4: {  	s25 =	simm.s32 $0x1B8E;
	s24 =	sld [smem:$0x3FFE];
	[sflag:s23] =	ssyncadd.s32 $0xFFFFFFFF  }
0xa5: {  	s26 =	simm.s32 $execute0_lowered;
	[smem:$0x3FD2] =	sst s25  }
0xa6: {  	s4 =	sshll.u32 s26, $0x1;
	_ =	strace $0x80000046;
	[dreg:$0x1] =	wrdreg $0xFFFFFFFF  }
0xa7: {  	s28 =	simm.s32 $_size_execute0_lowered;
	s2 =	sadd.s32 s2, s4;
	[dreg:$0x0] =	wrdreg $0x0  }
0xa8: {  	s4 =	sshll.u32 s28, $0x1;
	[dreg:$0x2] =	wrdreg s2  }
0xa9: {  	[dreg:$0x3] =	wrdreg s4  }
0xaa: {  	[dreg:$0x4] =	wrdreg $0xC0  }
0xab: {  	_ =	task [dreg:s6], $0x5FFFF  }
0xac: {  	[dreg:$0x1] =	wrdreg $0xFFFFFFFF  }
0xad: {  	[dreg:$0x0] =	wrdreg $0x60  }
0xae: {  	[dreg:$0x2] =	wrdreg s24  }
0xaf: {  	[dreg:$0x3] =	wrdreg $0x2000  }
0xb0: {  	[dreg:$0x4] =	wrdreg $0x9  }
0xb1: {  	_ =	task.clear_ibuf [dreg:s6], $0x5FFFF;
	_ =	strace $0x90000046  }
0xb2: {  	s29 =	simm.s32 $0x9;
	_ =	strace $0x80000048  }
0xb3: {  	_ =	swait.ge [sflag:s29], $0x1  }
0xb4: {  	[sflag:s29] =	ssyncadd.s32 $0xFFFFFFFF  }
0xb5: {  	_ =	strace $0x90000048  }
0xb6: {  	_ =	sfence  }
0xb7: {  	s30 =	sld [smem:$0x0];
	_ =	sdelay $0x2  }
0xb8: {  	s31 =	sshll.u32 s1, $0xD;
	s1 =	sshrl.u32 s1, $0x2  }
0xb9: {  	s3 =	sand.u32 $0x4000, s31;
	s1 =	sadd.s32 s1, s30  }
0xba: {  	s0 =	sor.u32 s3, s0;
	s1 =	sshll.u32 s1, $0x11  }
0xbb: {  	s0 =	sor.u32 s1, s0  }
0xbc: {  	s0 =	sadd.s32 $0x8F2B, s0  }
0xbd: {  	[sflag:s0] =	ssyncadd.remote.s32 $0x1  }
0xbe: {  	_ =	sfence.sel $0xFFFF  }
0xbf: {  	[dreg:$0x0] =	wrdreg $0xFFFFFFFF;
	(pc) =	sbr.abs _section_cstart, $3  }
0xc0: {  	[dreg:$0x1] =	wrdreg $0xFFFFFFFF  }
0xc1: {  	_ =	task.clear_ibuf [dreg:s6], $0x2FFFF;
	_ =	strace $0x9FFFFFFF  }
0xc2: {  	(tm) =	ssettm $0x7FFFFFFF  }
0xc3: {  	_ =	shalt  }
tec
execute0_lowered:
.L_overlay_start_1:
0x0: {  	(tag) =	ssettag $0x1  }
0x1: {  	s5 =	rddreg [dreg:$0x0]  }
0x2: {  	s2 =	rddreg [dreg:$0x1]  }
0x3: {  	s0 =	rddreg [dreg:$0x2]  }
0x4: {  	s3 =	simm.s32 $0x0;
	s4 =	srdreg.scid;
	s1 =	stileid.u32  }
0x5: {  	s13 =	simm.s32 $0x100;
	s14 =	simm.s32 $0x10;
	s15 =	simm.s32 $0x180  }
0x6: {  	s16 =	simm.s32 $0x20;
	s17 =	simm.s32 $0x0;
	s7 =	smul.u32 $0x500, s1  }
0x7: {  	[smem:$0x7FF] =	sst s3;
	s6 =	sand.u32 $0x1, s4;
	s11 =	smul.u32 $0xA00, s1  }
0x8: {  	s9 =	sadd.s32 $0x2000, s5;
	s4 =	sadd.s32 $0x15C00, s5;
	s29 =	smul.u32 $0x2710, s1  }
0x9: {  	s30 =	sshll.u32 s1, $0x6;
	_ =	strace $0x80000047;
	s8 =	sshll.u32 s6, $0x7  }
0xa: {  	s24 =	sshll.u32 s6, $0x4;
	s10 =	ssub.s32 $0x2, s6;
	s25 =	smul.u32 $0x27100, s6  }
0xb: {  	s7 =	sor.u32 s8, s7;
	s8 =	sor.u32 s1, s24;
	s12 =	sshrl.u32 s10, $0x1  }
0xc: {  	s26 =	sshrl.u32 s11, $0x2;
	s7 =	sshrl.u32 s7, $0x3;
	s8 =	smul.u32 $0x2710, s8  }
0xd: {  	s10 =	ssub.s32 s10, s12;
	s11 =	sadd.s32 s26, s2;
	s12 =	sadd.s32 s29, s25  }
0xe: {  	s7 =	sadd.s32 s7, s5;
	s5 =	sor.u32 $0x1C01, s30;
	s31 =	sshrl.u32 s12, $0x3  }
0xf: {  	s12 =	simm.s32 $0x80;
	s28 =	sshrl.u32 s8, $0x3;
	s7 =	sadd.s32 $0x16600, s7  }
0x10: {  	s8 =	smax.u32 s10, $0x1;
	s10 =	sshrl.u32 s11, $0x3;
	s6 =	sadd.s32 s9, s28  }
0x11: {  	v0 =	vimm.f32 $1.000000000e+00;
	s11 =	simm.s32 $0x1;
	s9 =	sadd.s32 s31, s9;
	s6 =	sadd.s32 $0x4E0, s6  }
.LBB2_1:
0x12: {  	[tilespmem:$0x80] =	vst v0  }
0x13: {  	[tilespmem:$0x90] =	vst v0  }
0x14: {  	[tilespmem:$0xA0] =	vst v0  }
0x15: {  	[tilespmem:$0xB0] =	vst v0  }
0x16: {  	[tilespmem:$0xC0] =	vst v0  }
0x17: {  	[tilespmem:$0xD0] =	vst v0  }
0x18: {  	[tilespmem:$0xE0] =	vst v0  }
0x19: {  	[tilespmem:$0xF0] =	vst v0  }
0x1a: {  	[tilespmem:$0x180] =	vst v0  }
0x1b: {  	[spmem:s10], [sflag:s5] =	dma.local [hbm:s4], $0x50  }
0x1c: {  	_ =	swait.ge [sflag:s11], $0x50  }
0x1d: {  	[sflag:s11] =	ssyncset.done $0x0  }
0x1e: {  	[sflag:s11] =	ssyncadd.s32 $0xFFFFFFB0  }
0x1f: {  	s18 =	sadd.s32 $0x0, s9;
	[bflag:$0x0] =	sbarrier.arrive $0xFFFF  }
0x20: {  	[tilespmem:s3], [sflag:$0x1] =	stream.linear.gather [hbm4b:s18+s3], $0x80, $0x38;
	[tilespmem:$0x480] =	vst v63  }
0x21: {  	_ =	swait.ge [sflag:s11], $0x80  }
0x22: {  	[sflag:s11] =	ssyncset.done $0x0  }
0x23: {  	[sflag:s11] =	ssyncadd.s32 $0xFFFFFF80  }
0x24: {  	[spmem:s2] =	stream.indirect.scatter.add.f32 [tilespmem:s12], [sflag:$0x1], $0x1, s3, s12, $0xb8;
	[tilespmem:$0x480] =	vst v63  }
0x25: {  	_ =	swait.ge [sflag:s11], $0x80  }
0x26: {  	s19 =	simm.s32 $0x20;
	s18 =	simm.s32 $0x10;
	[sflag:s11] =	ssyncset.done $0x0  }
.LBB2_2:
0x27: {  	s20 =	sadd.s32 s18, s9  }
0x28: {  	[sflag:s11] =	ssyncadd.s32 $0xFFFFFF80;
	s18 =	smov.u32 s19;
	s21 =	sadd.s32 $0x10, s19  }
0x29: {  	[tilespmem:s3], [sflag:$0x1] =	stream.linear.gather [hbm4b:s20+s3], $0x80, $0x38;
	[tilespmem:$0x480] =	vst v63  }
0x2a: {  	p0 =	sne.s32 s19, $0x4D0;
	_ =	swait.ge [sflag:s11], $0x80  }
.Ltmp0:
0x2b: {  	[sflag:s11] =	ssyncset.done $0x0;
	(pc) =	sbr.rel @p0 .LBB2_2-.Ltmp0, $4  }
0x2c: {  	[sflag:s11] =	ssyncadd.s32 $0xFFFFFF80  }
0x2d: {  	[spmem:s2] =	stream.indirect.scatter.add.f32 [tilespmem:s12], [sflag:$0x1], $0x1, s3, s12, $0xb8;
	[tilespmem:$0x480] =	vst v63  }
0x2e: {  	_ =	swait.ge [sflag:s11], $0x80  }
0x2f: {  	s19 =	smov.u32 s21;
	[sflag:s11] =	ssyncset.done $0x0  }
0x30: {  	s18 =	sadd.s32 s18, s9;
	[sflag:s11] =	ssyncadd.s32 $0xFFFFFF80  }
0x31: {  	[tilespmem:s3], [sflag:$0x1] =	stream.linear.gather [hbm4b:s18+s3], $0x80, $0x38;
	[tilespmem:$0x480] =	vst v63  }
0x32: {  	_ =	swait.ge [sflag:s11], $0x80  }
0x33: {  	[sflag:s11] =	ssyncset.done $0x0  }
0x34: {  	[sflag:s11] =	ssyncadd.s32 $0xFFFFFF80  }
0x35: {  	[spmem:s2] =	stream.indirect.scatter.add.f32 [tilespmem:s12], [sflag:$0x1], $0x1, s3, s12, $0xb8;
	[tilespmem:$0x480] =	vst v63  }
0x36: {  	_ =	swait.ge [sflag:s11], $0x80  }
0x37: {  	[sflag:s11] =	ssyncset.done $0x0  }
0x38: {  	[sflag:s11] =	ssyncadd.s32 $0xFFFFFF80  }
0x39: {  	[tilespmem:s13], [sflag:$0x1] =	stream.linear.gather [hbm4b:s6+s3], $0x10, $0x38;
	[tilespmem:$0x480] =	vst v63  }
0x3a: {  	_ =	swait.ge [sflag:s11], $0x10  }
0x3b: {  	[sflag:s11] =	ssyncset.done $0x0  }
0x3c: {  	[sflag:s11] =	ssyncadd.s32 $0xFFFFFFF0  }
0x3d: {  	[spmem:s2] =	stream.indirect.scatter.add.f32 [tilespmem:s15], [sflag:$0x1], $0x1, s13, s14, $0xb8;
	[tilespmem:$0x480] =	vst v63  }
0x3e: {  	_ =	swait.ge [sflag:s11], $0x10  }
0x3f: {  	s17 =	sadd.s32 $0x1, s17;
	[sflag:s11] =	ssyncset.done $0x0  }
0x40: {  	p0 =	sne.s32 s17, s8;
	[sflag:s11] =	ssyncadd.s32 $0xFFFFFFF0  }
.Ltmp1:
0x41: {  	[bflag:$0x0] =	sbarrier.arrive $0xFFFF;
	(pc) =	sbr.rel @p0 .LBB2_1-.Ltmp1, $4  }
0x42: {  	[hbm:s7@s16], [sflag:s5] =	dma.strided [spmem:s10@s14], $0x50, s11, $0x10   }
0x43: {  	_ =	swait.ge [sflag:s11], $0x50  }
0x44: {  	[sflag:s11] =	ssyncset.done $0x0  }
0x45: {  	[sflag:s11] =	ssyncadd.s32 $0xFFFFFFB0  }
0x46: {  	_ =	sfence.sel $0x180000  }
0x47: {  	[bflag:$0x0] =	sbarrier.arrive $0xFFFF  }
0x48: {  	p0 =	sne.s32 s1, $0x0;
	_ =	strace $0x90000047  }
0x49: {  	s0 =	sadd.s32 @!p0 $0x100000, s0;
	[bflag:$0x2] =	sbarrier.arrive $0xFFFF  }
0x4a: {  	[sflag:s0] =	ssyncadd.tile.s32 @!p0 $0x1;
	_ =	shalt  }
.Lfunc_end2:
_tile_overlayer_lowered:
.L_overlay_start_2:
0x4b: {  	(tag) =	ssettag $0x2  }
0x4c: {  	s0 =	rddreg [dreg:$0x0];
	s2 =	stileid.u32  }
0x4d: {  	s1 =	rddreg [dreg:$0x1];
	p0 =	sne.s32 s2, $0x0  }
0x4e: {  	s3 =	rddreg [dreg:$0x2];
	[bflag:$0x3] =	sbarrier.arrive $0xFFFF;
	s2 =	simm.s32 @!p0 $0x1C01  }
0x4f: {  	[timem:s3], [sflag:s2] =	dma.local @!p0 [hbm:s0], s1  }
0x50: {  	s0 =	simm.s32 @!p0 $0x1  }
0x51: {  	_ =	swait.ge @!p0 [sflag:s0], s1  }
0x52: {  	s1 =	ssub.s32 @!p0 $0x0, s1;
	[sflag:s0] =	ssyncset.done @!p0 $0x0  }
0x53: {  	[sflag:s0] =	ssyncadd.s32 @!p0 s1  }
0x54: {  	[bflag:$0x3] =	sbarrier.arrive $0xFFFF  }
0x55: {  	_ =	shalt  }

</sc_bundles>
